<compile_context>
chip_gen: v7x
topology: tpu7x:2x2x1
jax: 0.10.2.dev20260603
libtpu: 0.0.44.dev20260713+nightly
codegen_flags: <defaults>
</compile_context>

<pallas_src>
import functools

import jax
import jax.numpy as jnp
from jax import lax
from jax.experimental import pallas as pl
from jax.experimental.pallas import tpu as pltpu
from jax.experimental.pallas import tpu_sc as plsc

NINP = 64
LANES = 128
SEG = 128
NBUF = 3


def _make_emb(batch, hist, nw):
    bpw = batch // nw
    total = batch * hist
    mesh = plsc.VectorSubcoreMesh(core_axis_name="c", subcore_axis_name="s")

    @functools.partial(
        pl.kernel,
        mesh=mesh,
        out_type=jax.ShapeDtypeStruct((total, LANES), jnp.float32),
        scratch_types=[
            pltpu.VMEM((bpw * hist,), jnp.int32),
            pltpu.VMEM((NBUF, hist, LANES), jnp.float32),
            pltpu.SemaphoreType.DMA,
        ]
        + [pltpu.SemaphoreType.DMA] * NBUF
        + [pltpu.SemaphoreType.DMA] * NBUF,
        compiler_params=pltpu.CompilerParams(use_tc_tiling_on_sc=True),
    )
    def emb(idx_hbm, table_hbm, out_hbm, idx_v, rows_v, sem_i, *sems):
        sem_g = sems[:NBUF]
        sem_w = sems[NBUF:]
        wid = lax.axis_index("s") * 2 + lax.axis_index("c")
        base_b = wid * bpw

        def fire(s, b):
            pltpu.async_copy(
                table_hbm.at[idx_v.at[pl.ds(s * hist, SEG)]],
                rows_v.at[b, pl.ds(0, SEG)],
                sem_g[b],
            )
            pltpu.async_copy(
                table_hbm.at[idx_v.at[pl.ds(s * hist + SEG, hist - SEG)]],
                rows_v.at[b, pl.ds(SEG, hist - SEG)],
                sem_g[b],
            )

        def drain(b):
            pltpu.make_async_copy(
                table_hbm.at[idx_v.at[pl.ds(0, SEG)]],
                rows_v.at[b, pl.ds(0, SEG)],
                sem_g[b],
            ).wait()
            pltpu.make_async_copy(
                table_hbm.at[idx_v.at[pl.ds(0, hist - SEG)]],
                rows_v.at[b, pl.ds(SEG, hist - SEG)],
                sem_g[b],
            ).wait()

        def issue_write(s, b):
            pltpu.async_copy(
                rows_v.at[b],
                out_hbm.at[pl.ds((base_b + s) * hist, hist)],
                sem_w[b],
            )

        def wait_write(b):
            pltpu.make_async_copy(
                rows_v.at[b],
                out_hbm.at[pl.ds(0, hist)],
                sem_w[b],
            ).wait()

        pltpu.async_copy(idx_hbm.at[pl.ds(base_b * hist, bpw * hist)], idx_v, sem_i).wait()

        fire(0, 0)

        def body(s, carry):
            for bn in range(NBUF):

                @pl.when(((s + 1) % NBUF == bn) & (s + 1 < bpw))
                def _():
                    @pl.when(s + 1 >= NBUF)
                    def _():
                        wait_write(bn)

                    fire(s + 1, bn)

            for b in range(NBUF):

                @pl.when(s % NBUF == b)
                def _():
                    drain(b)
                    issue_write(s, b)

            return carry

        lax.fori_loop(0, bpw, body, 0)
        for b in range(NBUF):
            wait_write(b)

    return emb


def kernel(input, weight):
    batch, hist = input.shape
    nw = 32
    idx = input.reshape(-1).astype(jnp.int32)
    table128 = jnp.pad(weight, ((0, 0), (0, LANES - NINP)))
    out = _make_emb(batch, hist, nw)(idx, table128)
    return out[:, :NINP].reshape(batch, hist, NINP)

# --- scband reference (transcript-rebuilt; emitter-appended) ---
"""Pipeline reference for scband-embedding-table-16037407883533 (READ-ONLY COPY).

The authoritative reference and input builder live on the scoring server;
editing this copy changes nothing except your own understanding.
"""

import jax, jax.numpy as jnp
import numpy as np

NTOKEN = 1000000
NINP = 64
BATCH = 4096
HIST = 200

def setup_inputs(seed: int = 0) -> dict:
    key = jax.random.key(seed)
    k_idx, k_w = jax.random.split(key)
    indices = jax.random.randint(k_idx, (BATCH, HIST), 0, NTOKEN, dtype=jnp.int64 if jax.config.read('jax_enable_x64') else jnp.int32)
    # encoder weight initialized uniform(-0.1, 0.1) as in the torch module
    weight = jax.random.uniform(k_w, (NTOKEN, NINP), dtype=jnp.float32, minval=-0.1, maxval=0.1)
    return {"input": indices, "weight": weight}


def reference(input, weight) -> jnp.ndarray:
    # nn.Embedding lookup: gather rows of the table.
    # Dropout is identity in eval mode, so forward is just the gather.
    out = jnp.take(weight, input, axis=0)  # [BATCH, HIST, NINP]
    return out

if __name__ == "__main__":
    import jax
    _d = setup_inputs()
    print(jax.jit(kernel)(*tuple(_d.values())))

</pallas_src>

<mosaic_0001>
#map = affine_map<(d0, d1) -> (0)>
#map1 = affine_map<(d0, d1) -> (0, 0)>
module attributes {stable_mosaic.version = 14 : i64} {
  func.func @emb(%arg0: i32, %arg1: i32, %arg2: memref<819200xi32, #tpu.memory_space<hbm>>, %arg3: memref<1000000x128xf32, #tpu.memory_space<hbm>>, %arg4: memref<819200x128xf32, #tpu.memory_space<hbm>>, %arg5: memref<25600xi32, #tpu.memory_space<vmem>>, %arg6: memref<3x200x128xf32, #tpu.memory_space<vmem>>, %arg7: memref<!tpu.dma_semaphore, #tpu.memory_space<semaphore_mem>>, %arg8: memref<!tpu.dma_semaphore, #tpu.memory_space<semaphore_mem>>, %arg9: memref<!tpu.dma_semaphore, #tpu.memory_space<semaphore_mem>>, %arg10: memref<!tpu.dma_semaphore, #tpu.memory_space<semaphore_mem>>, %arg11: memref<!tpu.dma_semaphore, #tpu.memory_space<semaphore_mem>>, %arg12: memref<!tpu.dma_semaphore, #tpu.memory_space<semaphore_mem>>, %arg13: memref<!tpu.dma_semaphore, #tpu.memory_space<semaphore_mem>>) attributes {dimension_semantics = [#tpu.dimension_semantics<core_parallel>, #tpu.dimension_semantics<subcore_parallel>], iteration_bounds = array<i64: 2, 16>, scalar_prefetch = 0 : i64, scratch_operands = 9 : i64, tpu.core_type = #tpu.core_type<sc_vector_subcore>, window_params = [{transform_indices = #map}, {transform_indices = #map1}, {transform_indices = #map1}]} {
    %mul3A = arith.constant 2 : i32
    %mul3A_0 = arith.muli %arg1, %mul3A : i32
    %add3A = arith.addi %mul3A_0, %arg0 : i32
    %mul3A_1 = arith.constant 128 : i32
    %mul3A_2 = arith.muli %add3A, %mul3A_1 : i32
    %mul3A_3 = arith.constant 200 : i32
    %mul3A_4 = arith.muli %mul3A_2, %mul3A_3 : i32
    %dma_start3A = tpu.memref_slice %arg2[%mul3A_4] : memref<819200xi32, #tpu.memory_space<hbm>> -> memref<25600xi32, #tpu.memory_space<hbm>>
    %dma_start3A_5 = tpu.memref_slice %arg2[%mul3A_4] : memref<819200xi32, #tpu.memory_space<hbm>> -> memref<25600xi32, #tpu.memory_space<hbm>>
    tpu.enqueue_dma source(%dma_start3A_5 : memref<25600xi32, #tpu.memory_space<hbm>>) target(%arg5 : memref<25600xi32, #tpu.memory_space<vmem>>) target_semaphore(%arg7 : memref<!tpu.dma_semaphore, #tpu.memory_space<semaphore_mem>>)
    %dma_wait3A = tpu.memref_slice %arg2[%mul3A_4] : memref<819200xi32, #tpu.memory_space<hbm>> -> memref<25600xi32, #tpu.memory_space<hbm>>
    %dma_wait3A_6 = tpu.memref_slice %arg2[%mul3A_4] : memref<819200xi32, #tpu.memory_space<hbm>> -> memref<25600xi32, #tpu.memory_space<hbm>>
    tpu.wait_dma2 semaphore(%arg7 : memref<!tpu.dma_semaphore, #tpu.memory_space<semaphore_mem>>) src(%dma_wait3A_6 : memref<25600xi32, #tpu.memory_space<hbm>>) dst(%arg5 : memref<25600xi32, #tpu.memory_space<vmem>>)
    %dma_start3A_7 = arith.constant 0 : i32
    %dma_start3A_8 = arith.constant 0 : i32
    %dma_start3A_9 = arith.constant 0 : i32
    %dma_start3A_10 = tpu.memref_slice %arg6[%dma_start3A_7, %dma_start3A_8, %dma_start3A_9] : memref<3x200x128xf32, #tpu.memory_space<vmem>> -> memref<1x128x128xf32, #tpu.memory_space<vmem>>
    %dma_start3A_11 = tpu.memref_squeeze %dma_start3A_10 : memref<1x128x128xf32, #tpu.memory_space<vmem>> -> memref<128x128xf32, #tpu.memory_space<vmem>>
    %dma_start3A_12 = arith.constant 0 : i32
    %dma_start3A_13 = tpu.memref_slice %arg5[%dma_start3A_12] : memref<25600xi32, #tpu.memory_space<vmem>> -> memref<128xi32, #tpu.memory_space<vmem>>
    %dma_start3A_14 = arith.constant 0 : i32
    %dma_start3A_15 = arith.constant 0 : i32
    %dma_start3A_16 = tpu.memref_slice %arg3[%dma_start3A_14, %dma_start3A_15] : memref<1000000x128xf32, #tpu.memory_space<hbm>> -> memref<1000000x128xf32, #tpu.memory_space<hbm>>
    tpu.enqueue_indirect_dma source(%dma_start3A_16 : memref<1000000x128xf32, #tpu.memory_space<hbm>>) target(%dma_start3A_11 : memref<128x128xf32, #tpu.memory_space<vmem>>) offsets(%dma_start3A_13 : memref<128xi32, #tpu.memory_space<vmem>>) semaphore(%arg8 : memref<!tpu.dma_semaphore, #tpu.memory_space<semaphore_mem>>)
    %dma_start3A_17 = arith.constant 0 : i32
    %dma_start3A_18 = arith.constant 128 : i32
    %dma_start3A_19 = arith.constant 0 : i32
    %dma_start3A_20 = tpu.memref_slice %arg6[%dma_start3A_17, %dma_start3A_18, %dma_start3A_19] : memref<3x200x128xf32, #tpu.memory_space<vmem>> -> memref<1x72x128xf32, #tpu.memory_space<vmem>>
    %dma_start3A_21 = tpu.memref_squeeze %dma_start3A_20 : memref<1x72x128xf32, #tpu.memory_space<vmem>> -> memref<72x128xf32, #tpu.memory_space<vmem>>
    %dma_start3A_22 = arith.constant 128 : i32
    %dma_start3A_23 = tpu.memref_slice %arg5[%dma_start3A_22] : memref<25600xi32, #tpu.memory_space<vmem>> -> memref<72xi32, #tpu.memory_space<vmem>>
    %dma_start3A_24 = arith.constant 0 : i32
    %dma_start3A_25 = arith.constant 0 : i32
    %dma_start3A_26 = tpu.memref_slice %arg3[%dma_start3A_24, %dma_start3A_25] : memref<1000000x128xf32, #tpu.memory_space<hbm>> -> memref<1000000x128xf32, #tpu.memory_space<hbm>>
    tpu.enqueue_indirect_dma source(%dma_start3A_26 : memref<1000000x128xf32, #tpu.memory_space<hbm>>) target(%dma_start3A_21 : memref<72x128xf32, #tpu.memory_space<vmem>>) offsets(%dma_start3A_23 : memref<72xi32, #tpu.memory_space<vmem>>) semaphore(%arg8 : memref<!tpu.dma_semaphore, #tpu.memory_space<semaphore_mem>>)
    %scan3A = arith.constant 0 : i32
    %scan3A_27 = arith.constant 0 : i32
    %scan3A_28 = arith.constant 128 : i32
    %scan3A_29 = arith.addi %scan3A_27, %scan3A_28 : i32
    %scan3A_30 = arith.constant 1 : i32
    scf.for %scan3A_77 = %scan3A_27 to %scan3A_29 step %scan3A_30  : i32 {
      %add3A_78 = arith.constant 1 : i32
      %add3A_79 = arith.addi %scan3A_77, %add3A_78 : i32
      %jit3A = arith.constant 3 : i32
      %eq3A = arith.constant 0 : i32
      %eq3A_80 = arith.cmpi eq, %jit3A, %eq3A : i32
      %jit3A_81 = arith.constant 1 : i32
      %select_n3A = arith.select %eq3A_80, %jit3A_81, %jit3A : i32
      %rem3A = arith.remsi %add3A_79, %select_n3A : i32
      %ne3A = arith.constant 0 : i32
      %ne3A_82 = arith.cmpi ne, %rem3A, %ne3A : i32
      %lt3A = arith.constant 0 : i32
      %lt3A_83 = arith.cmpi slt, %rem3A, %lt3A : i32
      %lt3A_84 = arith.constant 0 : i32
      %lt3A_85 = arith.cmpi slt, %select_n3A, %lt3A_84 : i32
      %ne3A_86 = arith.xori %lt3A_83, %lt3A_85 : i1
      %and3A = arith.andi %ne3A_86, %ne3A_82 : i1
      %add3A_87 = arith.addi %rem3A, %select_n3A : i32
      %select_n3A_88 = arith.select %and3A, %add3A_87, %rem3A : i32
      %eq3A_89 = arith.constant 0 : i32
      %eq3A_90 = arith.cmpi eq, %select_n3A_88, %eq3A_89 : i32
      %add3A_91 = arith.constant 1 : i32
      %add3A_92 = arith.addi %scan3A_77, %add3A_91 : i32
      %lt3A_93 = arith.constant 128 : i32
      %lt3A_94 = arith.cmpi slt, %add3A_92, %lt3A_93 : i32
      %and3A_95 = arith.andi %eq3A_90, %lt3A_94 : i1
      %convert_element_type3A = arith.extui %and3A_95 : i1 to i32
      %cond3A = arith.constant 0 : i32
      %cond3A_96 = arith.cmpi ne, %convert_element_type3A, %cond3A : i32
      scf.if %cond3A_96 {
        %add3A_216 = arith.constant 1 : i32
        %add3A_217 = arith.addi %scan3A_77, %add3A_216 : i32
        %ge3A = arith.constant 3 : i32
        %ge3A_218 = arith.cmpi sge, %add3A_217, %ge3A : i32
        %convert_element_type3A_219 = arith.extui %ge3A_218 : i1 to i32
        %cond3A_220 = arith.constant 0 : i32
        %cond3A_221 = arith.cmpi ne, %convert_element_type3A_219, %cond3A_220 : i32
        scf.if %cond3A_221 {
          %dma_wait3A_248 = arith.constant 0 : i32
          %dma_wait3A_249 = arith.constant 0 : i32
          %dma_wait3A_250 = arith.constant 0 : i32
          %dma_wait3A_251 = tpu.memref_slice %arg6[%dma_wait3A_248, %dma_wait3A_249, %dma_wait3A_250] : memref<3x200x128xf32, #tpu.memory_space<vmem>> -> memref<1x200x128xf32, #tpu.memory_space<vmem>>
          %dma_wait3A_252 = tpu.memref_squeeze %dma_wait3A_251 : memref<1x200x128xf32, #tpu.memory_space<vmem>> -> memref<200x128xf32, #tpu.memory_space<vmem>>
          %dma_wait3A_253 = arith.constant 0 : i32
          %dma_wait3A_254 = arith.constant 0 : i32
          %dma_wait3A_255 = tpu.memref_slice %arg4[%dma_wait3A_253, %dma_wait3A_254] : memref<819200x128xf32, #tpu.memory_space<hbm>> -> memref<200x128xf32, #tpu.memory_space<hbm>>
          %dma_wait3A_256 = arith.constant 0 : i32
          %dma_wait3A_257 = arith.constant 0 : i32
          %dma_wait3A_258 = tpu.memref_slice %arg4[%dma_wait3A_256, %dma_wait3A_257] : memref<819200x128xf32, #tpu.memory_space<hbm>> -> memref<200x128xf32, #tpu.memory_space<hbm>>
          %dma_wait3A_259 = arith.constant 0 : i32
          %dma_wait3A_260 = arith.constant 0 : i32
          %dma_wait3A_261 = tpu.memref_slice %arg6[%dma_wait3A_248, %dma_wait3A_259, %dma_wait3A_260] : memref<3x200x128xf32, #tpu.memory_space<vmem>> -> memref<1x200x128xf32, #tpu.memory_space<vmem>>
          %dma_wait3A_262 = tpu.memref_squeeze %dma_wait3A_261 : memref<1x200x128xf32, #tpu.memory_space<vmem>> -> memref<200x128xf32, #tpu.memory_space<vmem>>
          tpu.wait_dma2 semaphore(%arg11 : memref<!tpu.dma_semaphore, #tpu.memory_space<semaphore_mem>>) src(%dma_wait3A_262 : memref<200x128xf32, #tpu.memory_space<vmem>>) dst(%dma_wait3A_258 : memref<200x128xf32, #tpu.memory_space<hbm>>)
        } else {
        }
        %add3A_222 = arith.constant 1 : i32
        %add3A_223 = arith.addi %scan3A_77, %add3A_222 : i32
        %mul3A_224 = arith.constant 200 : i32
        %mul3A_225 = arith.muli %add3A_223, %mul3A_224 : i32
        %dma_start3A_226 = arith.constant 0 : i32
        %dma_start3A_227 = arith.constant 0 : i32
        %dma_start3A_228 = arith.constant 0 : i32
        %dma_start3A_229 = tpu.memref_slice %arg6[%dma_start3A_226, %dma_start3A_227, %dma_start3A_228] : memref<3x200x128xf32, #tpu.memory_space<vmem>> -> memref<1x128x128xf32, #tpu.memory_space<vmem>>
        %dma_start3A_230 = tpu.memref_squeeze %dma_start3A_229 : memref<1x128x128xf32, #tpu.memory_space<vmem>> -> memref<128x128xf32, #tpu.memory_space<vmem>>
        %dma_start3A_231 = tpu.memref_slice %arg5[%mul3A_225] : memref<25600xi32, #tpu.memory_space<vmem>> -> memref<128xi32, #tpu.memory_space<vmem>>
        %dma_start3A_232 = arith.constant 0 : i32
        %dma_start3A_233 = arith.constant 0 : i32
        %dma_start3A_234 = tpu.memref_slice %arg3[%dma_start3A_232, %dma_start3A_233] : memref<1000000x128xf32, #tpu.memory_space<hbm>> -> memref<1000000x128xf32, #tpu.memory_space<hbm>>
        tpu.enqueue_indirect_dma source(%dma_start3A_234 : memref<1000000x128xf32, #tpu.memory_space<hbm>>) target(%dma_start3A_230 : memref<128x128xf32, #tpu.memory_space<vmem>>) offsets(%dma_start3A_231 : memref<128xi32, #tpu.memory_space<vmem>>) semaphore(%arg8 : memref<!tpu.dma_semaphore, #tpu.memory_space<semaphore_mem>>)
        %mul3A_235 = arith.constant 200 : i32
        %mul3A_236 = arith.muli %add3A_223, %mul3A_235 : i32
        %add3A_237 = arith.constant 128 : i32
        %add3A_238 = arith.addi %mul3A_236, %add3A_237 : i32
        %dma_start3A_239 = arith.constant 0 : i32
        %dma_start3A_240 = arith.constant 128 : i32
        %dma_start3A_241 = arith.constant 0 : i32
        %dma_start3A_242 = tpu.memref_slice %arg6[%dma_start3A_239, %dma_start3A_240, %dma_start3A_241] : memref<3x200x128xf32, #tpu.memory_space<vmem>> -> memref<1x72x128xf32, #tpu.memory_space<vmem>>
        %dma_start3A_243 = tpu.memref_squeeze %dma_start3A_242 : memref<1x72x128xf32, #tpu.memory_space<vmem>> -> memref<72x128xf32, #tpu.memory_space<vmem>>
        %dma_start3A_244 = tpu.memref_slice %arg5[%add3A_238] : memref<25600xi32, #tpu.memory_space<vmem>> -> memref<72xi32, #tpu.memory_space<vmem>>
        %dma_start3A_245 = arith.constant 0 : i32
        %dma_start3A_246 = arith.constant 0 : i32
        %dma_start3A_247 = tpu.memref_slice %arg3[%dma_start3A_245, %dma_start3A_246] : memref<1000000x128xf32, #tpu.memory_space<hbm>> -> memref<1000000x128xf32, #tpu.memory_space<hbm>>
        tpu.enqueue_indirect_dma source(%dma_start3A_247 : memref<1000000x128xf32, #tpu.memory_space<hbm>>) target(%dma_start3A_243 : memref<72x128xf32, #tpu.memory_space<vmem>>) offsets(%dma_start3A_244 : memref<72xi32, #tpu.memory_space<vmem>>) semaphore(%arg8 : memref<!tpu.dma_semaphore, #tpu.memory_space<semaphore_mem>>)
      } else {
      }
      %add3A_97 = arith.constant 1 : i32
      %add3A_98 = arith.addi %scan3A_77, %add3A_97 : i32
      %jit3A_99 = arith.constant 3 : i32
      %eq3A_100 = arith.constant 0 : i32
      %eq3A_101 = arith.cmpi eq, %jit3A_99, %eq3A_100 : i32
      %jit3A_102 = arith.constant 1 : i32
      %select_n3A_103 = arith.select %eq3A_101, %jit3A_102, %jit3A_99 : i32
      %rem3A_104 = arith.remsi %add3A_98, %select_n3A_103 : i32
      %ne3A_105 = arith.constant 0 : i32
      %ne3A_106 = arith.cmpi ne, %rem3A_104, %ne3A_105 : i32
      %lt3A_107 = arith.constant 0 : i32
      %lt3A_108 = arith.cmpi slt, %rem3A_104, %lt3A_107 : i32
      %lt3A_109 = arith.constant 0 : i32
      %lt3A_110 = arith.cmpi slt, %select_n3A_103, %lt3A_109 : i32
      %ne3A_111 = arith.xori %lt3A_108, %lt3A_110 : i1
      %and3A_112 = arith.andi %ne3A_111, %ne3A_106 : i1
      %add3A_113 = arith.addi %rem3A_104, %select_n3A_103 : i32
      %select_n3A_114 = arith.select %and3A_112, %add3A_113, %rem3A_104 : i32
      %eq3A_115 = arith.constant 1 : i32
      %eq3A_116 = arith.cmpi eq, %select_n3A_114, %eq3A_115 : i32
      %add3A_117 = arith.constant 1 : i32
      %add3A_118 = arith.addi %scan3A_77, %add3A_117 : i32
      %lt3A_119 = arith.constant 128 : i32
      %lt3A_120 = arith.cmpi slt, %add3A_118, %lt3A_119 : i32
      %and3A_121 = arith.andi %eq3A_116, %lt3A_120 : i1
      %convert_element_type3A_122 = arith.extui %and3A_121 : i1 to i32
      %cond3A_123 = arith.constant 0 : i32
      %cond3A_124 = arith.cmpi ne, %convert_element_type3A_122, %cond3A_123 : i32
      scf.if %cond3A_124 {
        %add3A_216 = arith.constant 1 : i32
        %add3A_217 = arith.addi %scan3A_77, %add3A_216 : i32
        %ge3A = arith.constant 3 : i32
        %ge3A_218 = arith.cmpi sge, %add3A_217, %ge3A : i32
        %convert_element_type3A_219 = arith.extui %ge3A_218 : i1 to i32
        %cond3A_220 = arith.constant 0 : i32
        %cond3A_221 = arith.cmpi ne, %convert_element_type3A_219, %cond3A_220 : i32
        scf.if %cond3A_221 {
          %dma_wait3A_248 = arith.constant 1 : i32
          %dma_wait3A_249 = arith.constant 0 : i32
          %dma_wait3A_250 = arith.constant 0 : i32
          %dma_wait3A_251 = tpu.memref_slice %arg6[%dma_wait3A_248, %dma_wait3A_249, %dma_wait3A_250] : memref<3x200x128xf32, #tpu.memory_space<vmem>> -> memref<1x200x128xf32, #tpu.memory_space<vmem>>
          %dma_wait3A_252 = tpu.memref_squeeze %dma_wait3A_251 : memref<1x200x128xf32, #tpu.memory_space<vmem>> -> memref<200x128xf32, #tpu.memory_space<vmem>>
          %dma_wait3A_253 = arith.constant 0 : i32
          %dma_wait3A_254 = arith.constant 0 : i32
          %dma_wait3A_255 = tpu.memref_slice %arg4[%dma_wait3A_253, %dma_wait3A_254] : memref<819200x128xf32, #tpu.memory_space<hbm>> -> memref<200x128xf32, #tpu.memory_space<hbm>>
          %dma_wait3A_256 = arith.constant 0 : i32
          %dma_wait3A_257 = arith.constant 0 : i32
          %dma_wait3A_258 = tpu.memref_slice %arg4[%dma_wait3A_256, %dma_wait3A_257] : memref<819200x128xf32, #tpu.memory_space<hbm>> -> memref<200x128xf32, #tpu.memory_space<hbm>>
          %dma_wait3A_259 = arith.constant 0 : i32
          %dma_wait3A_260 = arith.constant 0 : i32
          %dma_wait3A_261 = tpu.memref_slice %arg6[%dma_wait3A_248, %dma_wait3A_259, %dma_wait3A_260] : memref<3x200x128xf32, #tpu.memory_space<vmem>> -> memref<1x200x128xf32, #tpu.memory_space<vmem>>
          %dma_wait3A_262 = tpu.memref_squeeze %dma_wait3A_261 : memref<1x200x128xf32, #tpu.memory_space<vmem>> -> memref<200x128xf32, #tpu.memory_space<vmem>>
          tpu.wait_dma2 semaphore(%arg12 : memref<!tpu.dma_semaphore, #tpu.memory_space<semaphore_mem>>) src(%dma_wait3A_262 : memref<200x128xf32, #tpu.memory_space<vmem>>) dst(%dma_wait3A_258 : memref<200x128xf32, #tpu.memory_space<hbm>>)
        } else {
        }
        %add3A_222 = arith.constant 1 : i32
        %add3A_223 = arith.addi %scan3A_77, %add3A_222 : i32
        %mul3A_224 = arith.constant 200 : i32
        %mul3A_225 = arith.muli %add3A_223, %mul3A_224 : i32
        %dma_start3A_226 = arith.constant 1 : i32
        %dma_start3A_227 = arith.constant 0 : i32
        %dma_start3A_228 = arith.constant 0 : i32
        %dma_start3A_229 = tpu.memref_slice %arg6[%dma_start3A_226, %dma_start3A_227, %dma_start3A_228] : memref<3x200x128xf32, #tpu.memory_space<vmem>> -> memref<1x128x128xf32, #tpu.memory_space<vmem>>
        %dma_start3A_230 = tpu.memref_squeeze %dma_start3A_229 : memref<1x128x128xf32, #tpu.memory_space<vmem>> -> memref<128x128xf32, #tpu.memory_space<vmem>>
        %dma_start3A_231 = tpu.memref_slice %arg5[%mul3A_225] : memref<25600xi32, #tpu.memory_space<vmem>> -> memref<128xi32, #tpu.memory_space<vmem>>
        %dma_start3A_232 = arith.constant 0 : i32
        %dma_start3A_233 = arith.constant 0 : i32
        %dma_start3A_234 = tpu.memref_slice %arg3[%dma_start3A_232, %dma_start3A_233] : memref<1000000x128xf32, #tpu.memory_space<hbm>> -> memref<1000000x128xf32, #tpu.memory_space<hbm>>
        tpu.enqueue_indirect_dma source(%dma_start3A_234 : memref<1000000x128xf32, #tpu.memory_space<hbm>>) target(%dma_start3A_230 : memref<128x128xf32, #tpu.memory_space<vmem>>) offsets(%dma_start3A_231 : memref<128xi32, #tpu.memory_space<vmem>>) semaphore(%arg9 : memref<!tpu.dma_semaphore, #tpu.memory_space<semaphore_mem>>)
        %mul3A_235 = arith.constant 200 : i32
        %mul3A_236 = arith.muli %add3A_223, %mul3A_235 : i32
        %add3A_237 = arith.constant 128 : i32
        %add3A_238 = arith.addi %mul3A_236, %add3A_237 : i32
        %dma_start3A_239 = arith.constant 1 : i32
        %dma_start3A_240 = arith.constant 128 : i32
        %dma_start3A_241 = arith.constant 0 : i32
        %dma_start3A_242 = tpu.memref_slice %arg6[%dma_start3A_239, %dma_start3A_240, %dma_start3A_241] : memref<3x200x128xf32, #tpu.memory_space<vmem>> -> memref<1x72x128xf32, #tpu.memory_space<vmem>>
        %dma_start3A_243 = tpu.memref_squeeze %dma_start3A_242 : memref<1x72x128xf32, #tpu.memory_space<vmem>> -> memref<72x128xf32, #tpu.memory_space<vmem>>
        %dma_start3A_244 = tpu.memref_slice %arg5[%add3A_238] : memref<25600xi32, #tpu.memory_space<vmem>> -> memref<72xi32, #tpu.memory_space<vmem>>
        %dma_start3A_245 = arith.constant 0 : i32
        %dma_start3A_246 = arith.constant 0 : i32
        %dma_start3A_247 = tpu.memref_slice %arg3[%dma_start3A_245, %dma_start3A_246] : memref<1000000x128xf32, #tpu.memory_space<hbm>> -> memref<1000000x128xf32, #tpu.memory_space<hbm>>
        tpu.enqueue_indirect_dma source(%dma_start3A_247 : memref<1000000x128xf32, #tpu.memory_space<hbm>>) target(%dma_start3A_243 : memref<72x128xf32, #tpu.memory_space<vmem>>) offsets(%dma_start3A_244 : memref<72xi32, #tpu.memory_space<vmem>>) semaphore(%arg9 : memref<!tpu.dma_semaphore, #tpu.memory_space<semaphore_mem>>)
      } else {
      }
      %add3A_125 = arith.constant 1 : i32
      %add3A_126 = arith.addi %scan3A_77, %add3A_125 : i32
      %jit3A_127 = arith.constant 3 : i32
      %eq3A_128 = arith.constant 0 : i32
      %eq3A_129 = arith.cmpi eq, %jit3A_127, %eq3A_128 : i32
      %jit3A_130 = arith.constant 1 : i32
      %select_n3A_131 = arith.select %eq3A_129, %jit3A_130, %jit3A_127 : i32
      %rem3A_132 = arith.remsi %add3A_126, %select_n3A_131 : i32
      %ne3A_133 = arith.constant 0 : i32
      %ne3A_134 = arith.cmpi ne, %rem3A_132, %ne3A_133 : i32
      %lt3A_135 = arith.constant 0 : i32
      %lt3A_136 = arith.cmpi slt, %rem3A_132, %lt3A_135 : i32
      %lt3A_137 = arith.constant 0 : i32
      %lt3A_138 = arith.cmpi slt, %select_n3A_131, %lt3A_137 : i32
      %ne3A_139 = arith.xori %lt3A_136, %lt3A_138 : i1
      %and3A_140 = arith.andi %ne3A_139, %ne3A_134 : i1
      %add3A_141 = arith.addi %rem3A_132, %select_n3A_131 : i32
      %select_n3A_142 = arith.select %and3A_140, %add3A_141, %rem3A_132 : i32
      %eq3A_143 = arith.constant 2 : i32
      %eq3A_144 = arith.cmpi eq, %select_n3A_142, %eq3A_143 : i32
      %add3A_145 = arith.constant 1 : i32
      %add3A_146 = arith.addi %scan3A_77, %add3A_145 : i32
      %lt3A_147 = arith.constant 128 : i32
      %lt3A_148 = arith.cmpi slt, %add3A_146, %lt3A_147 : i32
      %and3A_149 = arith.andi %eq3A_144, %lt3A_148 : i1
      %convert_element_type3A_150 = arith.extui %and3A_149 : i1 to i32
      %cond3A_151 = arith.constant 0 : i32
      %cond3A_152 = arith.cmpi ne, %convert_element_type3A_150, %cond3A_151 : i32
      scf.if %cond3A_152 {
        %add3A_216 = arith.constant 1 : i32
        %add3A_217 = arith.addi %scan3A_77, %add3A_216 : i32
        %ge3A = arith.constant 3 : i32
        %ge3A_218 = arith.cmpi sge, %add3A_217, %ge3A : i32
        %convert_element_type3A_219 = arith.extui %ge3A_218 : i1 to i32
        %cond3A_220 = arith.constant 0 : i32
        %cond3A_221 = arith.cmpi ne, %convert_element_type3A_219, %cond3A_220 : i32
        scf.if %cond3A_221 {
          %dma_wait3A_248 = arith.constant 2 : i32
          %dma_wait3A_249 = arith.constant 0 : i32
          %dma_wait3A_250 = arith.constant 0 : i32
          %dma_wait3A_251 = tpu.memref_slice %arg6[%dma_wait3A_248, %dma_wait3A_249, %dma_wait3A_250] : memref<3x200x128xf32, #tpu.memory_space<vmem>> -> memref<1x200x128xf32, #tpu.memory_space<vmem>>
          %dma_wait3A_252 = tpu.memref_squeeze %dma_wait3A_251 : memref<1x200x128xf32, #tpu.memory_space<vmem>> -> memref<200x128xf32, #tpu.memory_space<vmem>>
          %dma_wait3A_253 = arith.constant 0 : i32
          %dma_wait3A_254 = arith.constant 0 : i32
          %dma_wait3A_255 = tpu.memref_slice %arg4[%dma_wait3A_253, %dma_wait3A_254] : memref<819200x128xf32, #tpu.memory_space<hbm>> -> memref<200x128xf32, #tpu.memory_space<hbm>>
          %dma_wait3A_256 = arith.constant 0 : i32
          %dma_wait3A_257 = arith.constant 0 : i32
          %dma_wait3A_258 = tpu.memref_slice %arg4[%dma_wait3A_256, %dma_wait3A_257] : memref<819200x128xf32, #tpu.memory_space<hbm>> -> memref<200x128xf32, #tpu.memory_space<hbm>>
          %dma_wait3A_259 = arith.constant 0 : i32
          %dma_wait3A_260 = arith.constant 0 : i32
          %dma_wait3A_261 = tpu.memref_slice %arg6[%dma_wait3A_248, %dma_wait3A_259, %dma_wait3A_260] : memref<3x200x128xf32, #tpu.memory_space<vmem>> -> memref<1x200x128xf32, #tpu.memory_space<vmem>>
          %dma_wait3A_262 = tpu.memref_squeeze %dma_wait3A_261 : memref<1x200x128xf32, #tpu.memory_space<vmem>> -> memref<200x128xf32, #tpu.memory_space<vmem>>
          tpu.wait_dma2 semaphore(%arg13 : memref<!tpu.dma_semaphore, #tpu.memory_space<semaphore_mem>>) src(%dma_wait3A_262 : memref<200x128xf32, #tpu.memory_space<vmem>>) dst(%dma_wait3A_258 : memref<200x128xf32, #tpu.memory_space<hbm>>)
        } else {
        }
        %add3A_222 = arith.constant 1 : i32
        %add3A_223 = arith.addi %scan3A_77, %add3A_222 : i32
        %mul3A_224 = arith.constant 200 : i32
        %mul3A_225 = arith.muli %add3A_223, %mul3A_224 : i32
        %dma_start3A_226 = arith.constant 2 : i32
        %dma_start3A_227 = arith.constant 0 : i32
        %dma_start3A_228 = arith.constant 0 : i32
        %dma_start3A_229 = tpu.memref_slice %arg6[%dma_start3A_226, %dma_start3A_227, %dma_start3A_228] : memref<3x200x128xf32, #tpu.memory_space<vmem>> -> memref<1x128x128xf32, #tpu.memory_space<vmem>>
        %dma_start3A_230 = tpu.memref_squeeze %dma_start3A_229 : memref<1x128x128xf32, #tpu.memory_space<vmem>> -> memref<128x128xf32, #tpu.memory_space<vmem>>
        %dma_start3A_231 = tpu.memref_slice %arg5[%mul3A_225] : memref<25600xi32, #tpu.memory_space<vmem>> -> memref<128xi32, #tpu.memory_space<vmem>>
        %dma_start3A_232 = arith.constant 0 : i32
        %dma_start3A_233 = arith.constant 0 : i32
        %dma_start3A_234 = tpu.memref_slice %arg3[%dma_start3A_232, %dma_start3A_233] : memref<1000000x128xf32, #tpu.memory_space<hbm>> -> memref<1000000x128xf32, #tpu.memory_space<hbm>>
        tpu.enqueue_indirect_dma source(%dma_start3A_234 : memref<1000000x128xf32, #tpu.memory_space<hbm>>) target(%dma_start3A_230 : memref<128x128xf32, #tpu.memory_space<vmem>>) offsets(%dma_start3A_231 : memref<128xi32, #tpu.memory_space<vmem>>) semaphore(%arg10 : memref<!tpu.dma_semaphore, #tpu.memory_space<semaphore_mem>>)
        %mul3A_235 = arith.constant 200 : i32
        %mul3A_236 = arith.muli %add3A_223, %mul3A_235 : i32
        %add3A_237 = arith.constant 128 : i32
        %add3A_238 = arith.addi %mul3A_236, %add3A_237 : i32
        %dma_start3A_239 = arith.constant 2 : i32
        %dma_start3A_240 = arith.constant 128 : i32
        %dma_start3A_241 = arith.constant 0 : i32
        %dma_start3A_242 = tpu.memref_slice %arg6[%dma_start3A_239, %dma_start3A_240, %dma_start3A_241] : memref<3x200x128xf32, #tpu.memory_space<vmem>> -> memref<1x72x128xf32, #tpu.memory_space<vmem>>
        %dma_start3A_243 = tpu.memref_squeeze %dma_start3A_242 : memref<1x72x128xf32, #tpu.memory_space<vmem>> -> memref<72x128xf32, #tpu.memory_space<vmem>>
        %dma_start3A_244 = tpu.memref_slice %arg5[%add3A_238] : memref<25600xi32, #tpu.memory_space<vmem>> -> memref<72xi32, #tpu.memory_space<vmem>>
        %dma_start3A_245 = arith.constant 0 : i32
        %dma_start3A_246 = arith.constant 0 : i32
        %dma_start3A_247 = tpu.memref_slice %arg3[%dma_start3A_245, %dma_start3A_246] : memref<1000000x128xf32, #tpu.memory_space<hbm>> -> memref<1000000x128xf32, #tpu.memory_space<hbm>>
        tpu.enqueue_indirect_dma source(%dma_start3A_247 : memref<1000000x128xf32, #tpu.memory_space<hbm>>) target(%dma_start3A_243 : memref<72x128xf32, #tpu.memory_space<vmem>>) offsets(%dma_start3A_244 : memref<72xi32, #tpu.memory_space<vmem>>) semaphore(%arg10 : memref<!tpu.dma_semaphore, #tpu.memory_space<semaphore_mem>>)
      } else {
      }
      %jit3A_153 = arith.constant 3 : i32
      %eq3A_154 = arith.constant 0 : i32
      %eq3A_155 = arith.cmpi eq, %jit3A_153, %eq3A_154 : i32
      %jit3A_156 = arith.constant 1 : i32
      %select_n3A_157 = arith.select %eq3A_155, %jit3A_156, %jit3A_153 : i32
      %rem3A_158 = arith.remsi %scan3A_77, %select_n3A_157 : i32
      %ne3A_159 = arith.constant 0 : i32
      %ne3A_160 = arith.cmpi ne, %rem3A_158, %ne3A_159 : i32
      %lt3A_161 = arith.constant 0 : i32
      %lt3A_162 = arith.cmpi slt, %rem3A_158, %lt3A_161 : i32
      %lt3A_163 = arith.constant 0 : i32
      %lt3A_164 = arith.cmpi slt, %select_n3A_157, %lt3A_163 : i32
      %ne3A_165 = arith.xori %lt3A_162, %lt3A_164 : i1
      %and3A_166 = arith.andi %ne3A_165, %ne3A_160 : i1
      %add3A_167 = arith.addi %rem3A_158, %select_n3A_157 : i32
      %select_n3A_168 = arith.select %and3A_166, %add3A_167, %rem3A_158 : i32
      %eq3A_169 = arith.constant 0 : i32
      %eq3A_170 = arith.cmpi eq, %select_n3A_168, %eq3A_169 : i32
      %convert_element_type3A_171 = arith.extui %eq3A_170 : i1 to i32
      %cond3A_172 = arith.constant 0 : i32
      %cond3A_173 = arith.cmpi ne, %convert_element_type3A_171, %cond3A_172 : i32
      scf.if %cond3A_173 {
        %dma_wait3A_216 = arith.constant 0 : i32
        %dma_wait3A_217 = arith.constant 0 : i32
        %dma_wait3A_218 = arith.constant 0 : i32
        %dma_wait3A_219 = tpu.memref_slice %arg6[%dma_wait3A_216, %dma_wait3A_217, %dma_wait3A_218] : memref<3x200x128xf32, #tpu.memory_space<vmem>> -> memref<1x128x128xf32, #tpu.memory_space<vmem>>
        %dma_wait3A_220 = tpu.memref_squeeze %dma_wait3A_219 : memref<1x128x128xf32, #tpu.memory_space<vmem>> -> memref<128x128xf32, #tpu.memory_space<vmem>>
        %dma_wait3A_221 = arith.constant 0 : i32
        %dma_wait3A_222 = tpu.memref_slice %arg5[%dma_wait3A_221] : memref<25600xi32, #tpu.memory_space<vmem>> -> memref<128xi32, #tpu.memory_space<vmem>>
        %dma_wait3A_223 = arith.constant 0 : i32
        %dma_wait3A_224 = arith.constant 0 : i32
        %dma_wait3A_225 = tpu.memref_slice %arg3[%dma_wait3A_223, %dma_wait3A_224] : memref<1000000x128xf32, #tpu.memory_space<hbm>> -> memref<1000000x128xf32, #tpu.memory_space<hbm>>
        tpu.wait_indirect_dma semaphore(%arg8 : memref<!tpu.dma_semaphore, #tpu.memory_space<semaphore_mem>>) src(%dma_wait3A_225 : memref<1000000x128xf32, #tpu.memory_space<hbm>>) dst(%dma_wait3A_220 : memref<128x128xf32, #tpu.memory_space<vmem>>)
        %dma_wait3A_226 = arith.constant 0 : i32
        %dma_wait3A_227 = arith.constant 128 : i32
        %dma_wait3A_228 = arith.constant 0 : i32
        %dma_wait3A_229 = tpu.memref_slice %arg6[%dma_wait3A_226, %dma_wait3A_227, %dma_wait3A_228] : memref<3x200x128xf32, #tpu.memory_space<vmem>> -> memref<1x72x128xf32, #tpu.memory_space<vmem>>
        %dma_wait3A_230 = tpu.memref_squeeze %dma_wait3A_229 : memref<1x72x128xf32, #tpu.memory_space<vmem>> -> memref<72x128xf32, #tpu.memory_space<vmem>>
        %dma_wait3A_231 = arith.constant 0 : i32
        %dma_wait3A_232 = tpu.memref_slice %arg5[%dma_wait3A_231] : memref<25600xi32, #tpu.memory_space<vmem>> -> memref<72xi32, #tpu.memory_space<vmem>>
        %dma_wait3A_233 = arith.constant 0 : i32
        %dma_wait3A_234 = arith.constant 0 : i32
        %dma_wait3A_235 = tpu.memref_slice %arg3[%dma_wait3A_233, %dma_wait3A_234] : memref<1000000x128xf32, #tpu.memory_space<hbm>> -> memref<1000000x128xf32, #tpu.memory_space<hbm>>
        tpu.wait_indirect_dma semaphore(%arg8 : memref<!tpu.dma_semaphore, #tpu.memory_space<semaphore_mem>>) src(%dma_wait3A_235 : memref<1000000x128xf32, #tpu.memory_space<hbm>>) dst(%dma_wait3A_230 : memref<72x128xf32, #tpu.memory_space<vmem>>)
        %add3A_236 = arith.addi %mul3A_2, %scan3A_77 : i32
        %mul3A_237 = arith.constant 200 : i32
        %mul3A_238 = arith.muli %add3A_236, %mul3A_237 : i32
        %dma_start3A_239 = arith.constant 0 : i32
        %dma_start3A_240 = arith.constant 0 : i32
        %dma_start3A_241 = arith.constant 0 : i32
        %dma_start3A_242 = tpu.memref_slice %arg6[%dma_start3A_239, %dma_start3A_240, %dma_start3A_241] : memref<3x200x128xf32, #tpu.memory_space<vmem>> -> memref<1x200x128xf32, #tpu.memory_space<vmem>>
        %dma_start3A_243 = tpu.memref_squeeze %dma_start3A_242 : memref<1x200x128xf32, #tpu.memory_space<vmem>> -> memref<200x128xf32, #tpu.memory_space<vmem>>
        %dma_start3A_244 = arith.constant 0 : i32
        %dma_start3A_245 = tpu.memref_slice %arg4[%mul3A_238, %dma_start3A_244] : memref<819200x128xf32, #tpu.memory_space<hbm>> -> memref<200x128xf32, #tpu.memory_space<hbm>>
        %dma_start3A_246 = arith.constant 0 : i32
        %dma_start3A_247 = tpu.memref_slice %arg4[%mul3A_238, %dma_start3A_246] : memref<819200x128xf32, #tpu.memory_space<hbm>> -> memref<200x128xf32, #tpu.memory_space<hbm>>
        %dma_start3A_248 = arith.constant 0 : i32
        %dma_start3A_249 = arith.constant 0 : i32
        %dma_start3A_250 = tpu.memref_slice %arg6[%dma_start3A_239, %dma_start3A_248, %dma_start3A_249] : memref<3x200x128xf32, #tpu.memory_space<vmem>> -> memref<1x200x128xf32, #tpu.memory_space<vmem>>
        %dma_start3A_251 = tpu.memref_squeeze %dma_start3A_250 : memref<1x200x128xf32, #tpu.memory_space<vmem>> -> memref<200x128xf32, #tpu.memory_space<vmem>>
        tpu.enqueue_dma source(%dma_start3A_251 : memref<200x128xf32, #tpu.memory_space<vmem>>) target(%dma_start3A_247 : memref<200x128xf32, #tpu.memory_space<hbm>>) target_semaphore(%arg11 : memref<!tpu.dma_semaphore, #tpu.memory_space<semaphore_mem>>)
      } else {
      }
      %jit3A_174 = arith.constant 3 : i32
      %eq3A_175 = arith.constant 0 : i32
      %eq3A_176 = arith.cmpi eq, %jit3A_174, %eq3A_175 : i32
      %jit3A_177 = arith.constant 1 : i32
      %select_n3A_178 = arith.select %eq3A_176, %jit3A_177, %jit3A_174 : i32
      %rem3A_179 = arith.remsi %scan3A_77, %select_n3A_178 : i32
      %ne3A_180 = arith.constant 0 : i32
      %ne3A_181 = arith.cmpi ne, %rem3A_179, %ne3A_180 : i32
      %lt3A_182 = arith.constant 0 : i32
      %lt3A_183 = arith.cmpi slt, %rem3A_179, %lt3A_182 : i32
      %lt3A_184 = arith.constant 0 : i32
      %lt3A_185 = arith.cmpi slt, %select_n3A_178, %lt3A_184 : i32
      %ne3A_186 = arith.xori %lt3A_183, %lt3A_185 : i1
      %and3A_187 = arith.andi %ne3A_186, %ne3A_181 : i1
      %add3A_188 = arith.addi %rem3A_179, %select_n3A_178 : i32
      %select_n3A_189 = arith.select %and3A_187, %add3A_188, %rem3A_179 : i32
      %eq3A_190 = arith.constant 1 : i32
      %eq3A_191 = arith.cmpi eq, %select_n3A_189, %eq3A_190 : i32
      %convert_element_type3A_192 = arith.extui %eq3A_191 : i1 to i32
      %cond3A_193 = arith.constant 0 : i32
      %cond3A_194 = arith.cmpi ne, %convert_element_type3A_192, %cond3A_193 : i32
      scf.if %cond3A_194 {
        %dma_wait3A_216 = arith.constant 1 : i32
        %dma_wait3A_217 = arith.constant 0 : i32
        %dma_wait3A_218 = arith.constant 0 : i32
        %dma_wait3A_219 = tpu.memref_slice %arg6[%dma_wait3A_216, %dma_wait3A_217, %dma_wait3A_218] : memref<3x200x128xf32, #tpu.memory_space<vmem>> -> memref<1x128x128xf32, #tpu.memory_space<vmem>>
        %dma_wait3A_220 = tpu.memref_squeeze %dma_wait3A_219 : memref<1x128x128xf32, #tpu.memory_space<vmem>> -> memref<128x128xf32, #tpu.memory_space<vmem>>
        %dma_wait3A_221 = arith.constant 0 : i32
        %dma_wait3A_222 = tpu.memref_slice %arg5[%dma_wait3A_221] : memref<25600xi32, #tpu.memory_space<vmem>> -> memref<128xi32, #tpu.memory_space<vmem>>
        %dma_wait3A_223 = arith.constant 0 : i32
        %dma_wait3A_224 = arith.constant 0 : i32
        %dma_wait3A_225 = tpu.memref_slice %arg3[%dma_wait3A_223, %dma_wait3A_224] : memref<1000000x128xf32, #tpu.memory_space<hbm>> -> memref<1000000x128xf32, #tpu.memory_space<hbm>>
        tpu.wait_indirect_dma semaphore(%arg9 : memref<!tpu.dma_semaphore, #tpu.memory_space<semaphore_mem>>) src(%dma_wait3A_225 : memref<1000000x128xf32, #tpu.memory_space<hbm>>) dst(%dma_wait3A_220 : memref<128x128xf32, #tpu.memory_space<vmem>>)
        %dma_wait3A_226 = arith.constant 1 : i32
        %dma_wait3A_227 = arith.constant 128 : i32
        %dma_wait3A_228 = arith.constant 0 : i32
        %dma_wait3A_229 = tpu.memref_slice %arg6[%dma_wait3A_226, %dma_wait3A_227, %dma_wait3A_228] : memref<3x200x128xf32, #tpu.memory_space<vmem>> -> memref<1x72x128xf32, #tpu.memory_space<vmem>>
        %dma_wait3A_230 = tpu.memref_squeeze %dma_wait3A_229 : memref<1x72x128xf32, #tpu.memory_space<vmem>> -> memref<72x128xf32, #tpu.memory_space<vmem>>
        %dma_wait3A_231 = arith.constant 0 : i32
        %dma_wait3A_232 = tpu.memref_slice %arg5[%dma_wait3A_231] : memref<25600xi32, #tpu.memory_space<vmem>> -> memref<72xi32, #tpu.memory_space<vmem>>
        %dma_wait3A_233 = arith.constant 0 : i32
        %dma_wait3A_234 = arith.constant 0 : i32
        %dma_wait3A_235 = tpu.memref_slice %arg3[%dma_wait3A_233, %dma_wait3A_234] : memref<1000000x128xf32, #tpu.memory_space<hbm>> -> memref<1000000x128xf32, #tpu.memory_space<hbm>>
        tpu.wait_indirect_dma semaphore(%arg9 : memref<!tpu.dma_semaphore, #tpu.memory_space<semaphore_mem>>) src(%dma_wait3A_235 : memref<1000000x128xf32, #tpu.memory_space<hbm>>) dst(%dma_wait3A_230 : memref<72x128xf32, #tpu.memory_space<vmem>>)
        %add3A_236 = arith.addi %mul3A_2, %scan3A_77 : i32
        %mul3A_237 = arith.constant 200 : i32
        %mul3A_238 = arith.muli %add3A_236, %mul3A_237 : i32
        %dma_start3A_239 = arith.constant 1 : i32
        %dma_start3A_240 = arith.constant 0 : i32
        %dma_start3A_241 = arith.constant 0 : i32
        %dma_start3A_242 = tpu.memref_slice %arg6[%dma_start3A_239, %dma_start3A_240, %dma_start3A_241] : memref<3x200x128xf32, #tpu.memory_space<vmem>> -> memref<1x200x128xf32, #tpu.memory_space<vmem>>
        %dma_start3A_243 = tpu.memref_squeeze %dma_start3A_242 : memref<1x200x128xf32, #tpu.memory_space<vmem>> -> memref<200x128xf32, #tpu.memory_space<vmem>>
        %dma_start3A_244 = arith.constant 0 : i32
        %dma_start3A_245 = tpu.memref_slice %arg4[%mul3A_238, %dma_start3A_244] : memref<819200x128xf32, #tpu.memory_space<hbm>> -> memref<200x128xf32, #tpu.memory_space<hbm>>
        %dma_start3A_246 = arith.constant 0 : i32
        %dma_start3A_247 = tpu.memref_slice %arg4[%mul3A_238, %dma_start3A_246] : memref<819200x128xf32, #tpu.memory_space<hbm>> -> memref<200x128xf32, #tpu.memory_space<hbm>>
        %dma_start3A_248 = arith.constant 0 : i32
        %dma_start3A_249 = arith.constant 0 : i32
        %dma_start3A_250 = tpu.memref_slice %arg6[%dma_start3A_239, %dma_start3A_248, %dma_start3A_249] : memref<3x200x128xf32, #tpu.memory_space<vmem>> -> memref<1x200x128xf32, #tpu.memory_space<vmem>>
        %dma_start3A_251 = tpu.memref_squeeze %dma_start3A_250 : memref<1x200x128xf32, #tpu.memory_space<vmem>> -> memref<200x128xf32, #tpu.memory_space<vmem>>
        tpu.enqueue_dma source(%dma_start3A_251 : memref<200x128xf32, #tpu.memory_space<vmem>>) target(%dma_start3A_247 : memref<200x128xf32, #tpu.memory_space<hbm>>) target_semaphore(%arg12 : memref<!tpu.dma_semaphore, #tpu.memory_space<semaphore_mem>>)
      } else {
      }
      %jit3A_195 = arith.constant 3 : i32
      %eq3A_196 = arith.constant 0 : i32
      %eq3A_197 = arith.cmpi eq, %jit3A_195, %eq3A_196 : i32
      %jit3A_198 = arith.constant 1 : i32
      %select_n3A_199 = arith.select %eq3A_197, %jit3A_198, %jit3A_195 : i32
      %rem3A_200 = arith.remsi %scan3A_77, %select_n3A_199 : i32
      %ne3A_201 = arith.constant 0 : i32
      %ne3A_202 = arith.cmpi ne, %rem3A_200, %ne3A_201 : i32
      %lt3A_203 = arith.constant 0 : i32
      %lt3A_204 = arith.cmpi slt, %rem3A_200, %lt3A_203 : i32
      %lt3A_205 = arith.constant 0 : i32
      %lt3A_206 = arith.cmpi slt, %select_n3A_199, %lt3A_205 : i32
      %ne3A_207 = arith.xori %lt3A_204, %lt3A_206 : i1
      %and3A_208 = arith.andi %ne3A_207, %ne3A_202 : i1
      %add3A_209 = arith.addi %rem3A_200, %select_n3A_199 : i32
      %select_n3A_210 = arith.select %and3A_208, %add3A_209, %rem3A_200 : i32
      %eq3A_211 = arith.constant 2 : i32
      %eq3A_212 = arith.cmpi eq, %select_n3A_210, %eq3A_211 : i32
      %convert_element_type3A_213 = arith.extui %eq3A_212 : i1 to i32
      %cond3A_214 = arith.constant 0 : i32
      %cond3A_215 = arith.cmpi ne, %convert_element_type3A_213, %cond3A_214 : i32
      scf.if %cond3A_215 {
        %dma_wait3A_216 = arith.constant 2 : i32
        %dma_wait3A_217 = arith.constant 0 : i32
        %dma_wait3A_218 = arith.constant 0 : i32
        %dma_wait3A_219 = tpu.memref_slice %arg6[%dma_wait3A_216, %dma_wait3A_217, %dma_wait3A_218] : memref<3x200x128xf32, #tpu.memory_space<vmem>> -> memref<1x128x128xf32, #tpu.memory_space<vmem>>
        %dma_wait3A_220 = tpu.memref_squeeze %dma_wait3A_219 : memref<1x128x128xf32, #tpu.memory_space<vmem>> -> memref<128x128xf32, #tpu.memory_space<vmem>>
        %dma_wait3A_221 = arith.constant 0 : i32
        %dma_wait3A_222 = tpu.memref_slice %arg5[%dma_wait3A_221] : memref<25600xi32, #tpu.memory_space<vmem>> -> memref<128xi32, #tpu.memory_space<vmem>>
        %dma_wait3A_223 = arith.constant 0 : i32
        %dma_wait3A_224 = arith.constant 0 : i32
        %dma_wait3A_225 = tpu.memref_slice %arg3[%dma_wait3A_223, %dma_wait3A_224] : memref<1000000x128xf32, #tpu.memory_space<hbm>> -> memref<1000000x128xf32, #tpu.memory_space<hbm>>
        tpu.wait_indirect_dma semaphore(%arg10 : memref<!tpu.dma_semaphore, #tpu.memory_space<semaphore_mem>>) src(%dma_wait3A_225 : memref<1000000x128xf32, #tpu.memory_space<hbm>>) dst(%dma_wait3A_220 : memref<128x128xf32, #tpu.memory_space<vmem>>)
        %dma_wait3A_226 = arith.constant 2 : i32
        %dma_wait3A_227 = arith.constant 128 : i32
        %dma_wait3A_228 = arith.constant 0 : i32
        %dma_wait3A_229 = tpu.memref_slice %arg6[%dma_wait3A_226, %dma_wait3A_227, %dma_wait3A_228] : memref<3x200x128xf32, #tpu.memory_space<vmem>> -> memref<1x72x128xf32, #tpu.memory_space<vmem>>
        %dma_wait3A_230 = tpu.memref_squeeze %dma_wait3A_229 : memref<1x72x128xf32, #tpu.memory_space<vmem>> -> memref<72x128xf32, #tpu.memory_space<vmem>>
        %dma_wait3A_231 = arith.constant 0 : i32
        %dma_wait3A_232 = tpu.memref_slice %arg5[%dma_wait3A_231] : memref<25600xi32, #tpu.memory_space<vmem>> -> memref<72xi32, #tpu.memory_space<vmem>>
        %dma_wait3A_233 = arith.constant 0 : i32
        %dma_wait3A_234 = arith.constant 0 : i32
        %dma_wait3A_235 = tpu.memref_slice %arg3[%dma_wait3A_233, %dma_wait3A_234] : memref<1000000x128xf32, #tpu.memory_space<hbm>> -> memref<1000000x128xf32, #tpu.memory_space<hbm>>
        tpu.wait_indirect_dma semaphore(%arg10 : memref<!tpu.dma_semaphore, #tpu.memory_space<semaphore_mem>>) src(%dma_wait3A_235 : memref<1000000x128xf32, #tpu.memory_space<hbm>>) dst(%dma_wait3A_230 : memref<72x128xf32, #tpu.memory_space<vmem>>)
        %add3A_236 = arith.addi %mul3A_2, %scan3A_77 : i32
        %mul3A_237 = arith.constant 200 : i32
        %mul3A_238 = arith.muli %add3A_236, %mul3A_237 : i32
        %dma_start3A_239 = arith.constant 2 : i32
        %dma_start3A_240 = arith.constant 0 : i32
        %dma_start3A_241 = arith.constant 0 : i32
        %dma_start3A_242 = tpu.memref_slice %arg6[%dma_start3A_239, %dma_start3A_240, %dma_start3A_241] : memref<3x200x128xf32, #tpu.memory_space<vmem>> -> memref<1x200x128xf32, #tpu.memory_space<vmem>>
        %dma_start3A_243 = tpu.memref_squeeze %dma_start3A_242 : memref<1x200x128xf32, #tpu.memory_space<vmem>> -> memref<200x128xf32, #tpu.memory_space<vmem>>
        %dma_start3A_244 = arith.constant 0 : i32
        %dma_start3A_245 = tpu.memref_slice %arg4[%mul3A_238, %dma_start3A_244] : memref<819200x128xf32, #tpu.memory_space<hbm>> -> memref<200x128xf32, #tpu.memory_space<hbm>>
        %dma_start3A_246 = arith.constant 0 : i32
        %dma_start3A_247 = tpu.memref_slice %arg4[%mul3A_238, %dma_start3A_246] : memref<819200x128xf32, #tpu.memory_space<hbm>> -> memref<200x128xf32, #tpu.memory_space<hbm>>
        %dma_start3A_248 = arith.constant 0 : i32
        %dma_start3A_249 = arith.constant 0 : i32
        %dma_start3A_250 = tpu.memref_slice %arg6[%dma_start3A_239, %dma_start3A_248, %dma_start3A_249] : memref<3x200x128xf32, #tpu.memory_space<vmem>> -> memref<1x200x128xf32, #tpu.memory_space<vmem>>
        %dma_start3A_251 = tpu.memref_squeeze %dma_start3A_250 : memref<1x200x128xf32, #tpu.memory_space<vmem>> -> memref<200x128xf32, #tpu.memory_space<vmem>>
        tpu.enqueue_dma source(%dma_start3A_251 : memref<200x128xf32, #tpu.memory_space<vmem>>) target(%dma_start3A_247 : memref<200x128xf32, #tpu.memory_space<hbm>>) target_semaphore(%arg13 : memref<!tpu.dma_semaphore, #tpu.memory_space<semaphore_mem>>)
      } else {
      }
    }
    %scan3A_31 = arith.constant 128 : i32
    %dma_wait3A_32 = arith.constant 0 : i32
    %dma_wait3A_33 = arith.constant 0 : i32
    %dma_wait3A_34 = arith.constant 0 : i32
    %dma_wait3A_35 = tpu.memref_slice %arg6[%dma_wait3A_32, %dma_wait3A_33, %dma_wait3A_34] : memref<3x200x128xf32, #tpu.memory_space<vmem>> -> memref<1x200x128xf32, #tpu.memory_space<vmem>>
    %dma_wait3A_36 = tpu.memref_squeeze %dma_wait3A_35 : memref<1x200x128xf32, #tpu.memory_space<vmem>> -> memref<200x128xf32, #tpu.memory_space<vmem>>
    %dma_wait3A_37 = arith.constant 0 : i32
    %dma_wait3A_38 = arith.constant 0 : i32
    %dma_wait3A_39 = tpu.memref_slice %arg4[%dma_wait3A_37, %dma_wait3A_38] : memref<819200x128xf32, #tpu.memory_space<hbm>> -> memref<200x128xf32, #tpu.memory_space<hbm>>
    %dma_wait3A_40 = arith.constant 0 : i32
    %dma_wait3A_41 = arith.constant 0 : i32
    %dma_wait3A_42 = tpu.memref_slice %arg4[%dma_wait3A_40, %dma_wait3A_41] : memref<819200x128xf32, #tpu.memory_space<hbm>> -> memref<200x128xf32, #tpu.memory_space<hbm>>
    %dma_wait3A_43 = arith.constant 0 : i32
    %dma_wait3A_44 = arith.constant 0 : i32
    %dma_wait3A_45 = tpu.memref_slice %arg6[%dma_wait3A_32, %dma_wait3A_43, %dma_wait3A_44] : memref<3x200x128xf32, #tpu.memory_space<vmem>> -> memref<1x200x128xf32, #tpu.memory_space<vmem>>
    %dma_wait3A_46 = tpu.memref_squeeze %dma_wait3A_45 : memref<1x200x128xf32, #tpu.memory_space<vmem>> -> memref<200x128xf32, #tpu.memory_space<vmem>>
    tpu.wait_dma2 semaphore(%arg11 : memref<!tpu.dma_semaphore, #tpu.memory_space<semaphore_mem>>) src(%dma_wait3A_46 : memref<200x128xf32, #tpu.memory_space<vmem>>) dst(%dma_wait3A_42 : memref<200x128xf32, #tpu.memory_space<hbm>>)
    %dma_wait3A_47 = arith.constant 1 : i32
    %dma_wait3A_48 = arith.constant 0 : i32
    %dma_wait3A_49 = arith.constant 0 : i32
    %dma_wait3A_50 = tpu.memref_slice %arg6[%dma_wait3A_47, %dma_wait3A_48, %dma_wait3A_49] : memref<3x200x128xf32, #tpu.memory_space<vmem>> -> memref<1x200x128xf32, #tpu.memory_space<vmem>>
    %dma_wait3A_51 = tpu.memref_squeeze %dma_wait3A_50 : memref<1x200x128xf32, #tpu.memory_space<vmem>> -> memref<200x128xf32, #tpu.memory_space<vmem>>
    %dma_wait3A_52 = arith.constant 0 : i32
    %dma_wait3A_53 = arith.constant 0 : i32
    %dma_wait3A_54 = tpu.memref_slice %arg4[%dma_wait3A_52, %dma_wait3A_53] : memref<819200x128xf32, #tpu.memory_space<hbm>> -> memref<200x128xf32, #tpu.memory_space<hbm>>
    %dma_wait3A_55 = arith.constant 0 : i32
    %dma_wait3A_56 = arith.constant 0 : i32
    %dma_wait3A_57 = tpu.memref_slice %arg4[%dma_wait3A_55, %dma_wait3A_56] : memref<819200x128xf32, #tpu.memory_space<hbm>> -> memref<200x128xf32, #tpu.memory_space<hbm>>
    %dma_wait3A_58 = arith.constant 0 : i32
    %dma_wait3A_59 = arith.constant 0 : i32
    %dma_wait3A_60 = tpu.memref_slice %arg6[%dma_wait3A_47, %dma_wait3A_58, %dma_wait3A_59] : memref<3x200x128xf32, #tpu.memory_space<vmem>> -> memref<1x200x128xf32, #tpu.memory_space<vmem>>
    %dma_wait3A_61 = tpu.memref_squeeze %dma_wait3A_60 : memref<1x200x128xf32, #tpu.memory_space<vmem>> -> memref<200x128xf32, #tpu.memory_space<vmem>>
    tpu.wait_dma2 semaphore(%arg12 : memref<!tpu.dma_semaphore, #tpu.memory_space<semaphore_mem>>) src(%dma_wait3A_61 : memref<200x128xf32, #tpu.memory_space<vmem>>) dst(%dma_wait3A_57 : memref<200x128xf32, #tpu.memory_space<hbm>>)
    %dma_wait3A_62 = arith.constant 2 : i32
    %dma_wait3A_63 = arith.constant 0 : i32
    %dma_wait3A_64 = arith.constant 0 : i32
    %dma_wait3A_65 = tpu.memref_slice %arg6[%dma_wait3A_62, %dma_wait3A_63, %dma_wait3A_64] : memref<3x200x128xf32, #tpu.memory_space<vmem>> -> memref<1x200x128xf32, #tpu.memory_space<vmem>>
    %dma_wait3A_66 = tpu.memref_squeeze %dma_wait3A_65 : memref<1x200x128xf32, #tpu.memory_space<vmem>> -> memref<200x128xf32, #tpu.memory_space<vmem>>
    %dma_wait3A_67 = arith.constant 0 : i32
    %dma_wait3A_68 = arith.constant 0 : i32
    %dma_wait3A_69 = tpu.memref_slice %arg4[%dma_wait3A_67, %dma_wait3A_68] : memref<819200x128xf32, #tpu.memory_space<hbm>> -> memref<200x128xf32, #tpu.memory_space<hbm>>
    %dma_wait3A_70 = arith.constant 0 : i32
    %dma_wait3A_71 = arith.constant 0 : i32
    %dma_wait3A_72 = tpu.memref_slice %arg4[%dma_wait3A_70, %dma_wait3A_71] : memref<819200x128xf32, #tpu.memory_space<hbm>> -> memref<200x128xf32, #tpu.memory_space<hbm>>
    %dma_wait3A_73 = arith.constant 0 : i32
    %dma_wait3A_74 = arith.constant 0 : i32
    %dma_wait3A_75 = tpu.memref_slice %arg6[%dma_wait3A_62, %dma_wait3A_73, %dma_wait3A_74] : memref<3x200x128xf32, #tpu.memory_space<vmem>> -> memref<1x200x128xf32, #tpu.memory_space<vmem>>
    %dma_wait3A_76 = tpu.memref_squeeze %dma_wait3A_75 : memref<1x200x128xf32, #tpu.memory_space<vmem>> -> memref<200x128xf32, #tpu.memory_space<vmem>>
    tpu.wait_dma2 semaphore(%arg13 : memref<!tpu.dma_semaphore, #tpu.memory_space<semaphore_mem>>) src(%dma_wait3A_76 : memref<200x128xf32, #tpu.memory_space<vmem>>) dst(%dma_wait3A_72 : memref<200x128xf32, #tpu.memory_space<hbm>>)
    return
  }
}

</mosaic_0001>

<sc_bundles>
// kernel: kernel.3.cloned.1.call-start
scs
__scs_entry_jumppad:
0x0: {  	(pc) =	sbr.rel $0x88, $3  }
0x1: {  	(tag) =	ssettag $0x0;
	lr =	simm.s32 $0x1  }
0x2: {  	[smem:$0x3F9F] =	sst lr;
	_ =	strace $0xD0000000  }
0x3: {  	_ = 	snop  }
0x4: {  	_ = 	snop  }
0x5: {  	_ = 	snop  }
0x6: {  	_ = 	snop  }
0x7: {  	_ = 	snop  }
__scs_overlays_trampoline_lowered:
0x8: {  	[smem:$0x3FAE] =	sst s0  }
0x9: {  	[smem:$0x3FAF] =	sst s1  }
0xa: {  	[smem:$0x3FB0] =	sst s2  }
0xb: {  	[smem:$0x3FB1] =	sst s3  }
0xc: {  	[smem:$0x3FB2] =	sst s4  }
0xd: {  	[smem:$0x3FB3] =	sst s5  }
0xe: {  	[smem:$0x3FB4] =	sst s6  }
0xf: {  	[smem:$0x3FB5] =	sst s7  }
0x10: {  	[smem:$0x3FB6] =	sst s8  }
0x11: {  	[smem:$0x3FB7] =	sst s9;
	s0 =	simm.s32 @!p0 $0x0  }
0x12: {  	s1 =	sld [smem:$0x3F9D];
	s0 =	simm.s32 @p0 $0x1  }
0x13: {  	[smem:$0x3FB8] =	sst s0;
	s0 =	simm.s32 @!p1 $0x0  }
0x14: {  	s2 =	sld [smem:$0x3F9C];
	s0 =	simm.s32 @p1 $0x1  }
0x15: {  	[smem:$0x3FB9] =	sst s0;
	s0 =	simm.s32 @!p2 $0x0  }
0x16: {  	s3 =	sld [smem:$0x3FDB];
	s0 =	simm.s32 @p2 $0x1  }
0x17: {  	s4 =	simm.s32 $0x1BF5;
	[smem:$0x3FBB] =	sst s0  }
0x18: {  	s0 =	sld [smem:$0x3F9E];
	_ =	swait.ge [sflag:s4], $0x0  }
0x19: {  	s7 =	sld [smem:$0x3F9F]  }
0x1a: {  	s8 =	sadd.s32 $0xFFFFE003, lr  }
0x1b: {  	s9 =	sadd.s32 $0xFFFFFEF7, lr;
	s5 =	simm.s32 $0xFFFFFFFF;
	p2 =	slt.u32 s8, $0xFFFFF086  }
0x1c: {  	p1 =	slt.u32 s9, $0xF7A;
	s5 =	simm.s32 @!p2 $0x0  }
0x1d: {  	s5 =	simm.s32 @p1 $0x1;
	p0 =	seq.s32 s7, s2  }
0x1e: {  	s7 =	smul.u32 @!p0 $0xF7A, s2;
	p2 =	seq.s32 @!p0 s5, $0x0  }
0x1f: {  	s9 =	smul.u32 $0xF7A, s1;
	s8 =	simm.s32 @!p0 $0x1BF5;
	p2 =	por !p2, p0  }
0x20: {  	[sflag:s8] =	ssyncset.s32 @!p0 $0xFFFFF086;
	s6 =	sadd.s32 @!p0 s3, s7;
	s7 =	simm.s32 @!p0 $0x108  }
0x21: {  	s3 =	sadd.s32 s3, s9;
	s6 =	sadd.s32 @!p0 $0x88, s6;
	s7 =	simm.s32 @p2 $0x1082  }
0x22: {  	[simem:s7], [sflag:s8] =	dma.local @!p0 [hbm:s6], $0xF7A  }
0x23: {  	s9 =	sor.u32 $0xD0000000, s2;
	s6 =	simm.s32 $0x108;
	_ =	swait.ge @!p0 [sflag:s8], $0x0  }
0x24: {  	s3 =	sadd.s32 $0x88, s3;
	s6 =	simm.s32 @!p1 $0x1082;
	[sflag:s4] =	ssyncset.s32 $0xFFFFF086  }
0x25: {  	[simem:s6], [sflag:s4] =	dma.local [hbm:s3], $0xF7A  }
0x26: {  	[smem:$0x3F9F] =	sst s1;
	(tag) =	ssettag s2;
	_ =	strace s9  }
0x27: {  	s1 =	sld [smem:$0x3FAF]  }
0x28: {  	s2 =	sld [smem:$0x3FB0]  }
0x29: {  	s4 =	sld [smem:$0x3FB2]  }
0x2a: {  	p0 =	seq.s32 s5, $0x0;
	s5 =	sld [smem:$0x3FB3]  }
0x2b: {  	s6 =	sld [smem:$0x3FB4]  }
0x2c: {  	s7 =	sld [smem:$0x3FB5]  }
0x2d: {  	s3 =	simm.s32 $0x108;
	s8 =	sld [smem:$0x3FB6]  }
0x2e: {  	s3 =	simm.s32 @!p0 $0x1082;
	s9 =	sld [smem:$0x3FB7]  }
0x2f: {  	lr =	sadd.s32 s0, s3;
	s0 =	sld [smem:$0x3FAE]  }
0x30: {  	s3 =	sld [smem:$0x3FB1]  }
0x31: {  	[smem:$0x3FBA] =	sst s10  }
0x32: {  	s10 =	sld [smem:$0x3FB8];
	_ =	sdelay $0x3  }
0x33: {  	p0 =	seq.s32 s10, $0x1;
	s10 =	sld [smem:$0x3FBA];
	_ =	sdelay $0x3  }
0x34: {  	[smem:$0x3FBA] =	sst s10  }
0x35: {  	s10 =	sld [smem:$0x3FB9];
	_ =	sdelay $0x3  }
0x36: {  	p1 =	seq.s32 s10, $0x1;
	s10 =	sld [smem:$0x3FBA];
	_ =	sdelay $0x3  }
0x37: {  	[smem:$0x3FBA] =	sst s10  }
0x38: {  	s10 =	sld [smem:$0x3FBB]  }
0x39: {  	_ = 	snop;
	(pc) =	sbr.ind lr, $3  }
0x3a: {  	_ = 	snop  }
0x3b: {  	_ = 	snop  }
0x3c: {  	p2 =	seq.s32 s10, $0x1;
	s10 =	sld [smem:$0x3FBA]  }
0x3d: {  	_ =	shalt  }
0x3e: {  	_ =	shalt  }
0x3f: {  	_ =	shalt  }
0x40: {  	_ =	shalt  }
0x41: {  	_ =	shalt  }
0x42: {  	_ =	shalt  }
0x43: {  	_ =	shalt  }
0x44: {  	_ =	shalt  }
0x45: {  	_ =	shalt  }
0x46: {  	_ =	shalt  }
0x47: {  	_ =	shalt  }
0x48: {  	_ =	shalt  }
0x49: {  	_ =	shalt  }
0x4a: {  	_ =	shalt  }
0x4b: {  	_ =	shalt  }
0x4c: {  	_ =	shalt  }
0x4d: {  	_ =	shalt  }
0x4e: {  	_ =	shalt  }
0x4f: {  	_ =	shalt  }
0x50: {  	_ =	shalt  }
0x51: {  	_ =	shalt  }
0x52: {  	_ =	shalt  }
0x53: {  	_ =	shalt  }
0x54: {  	_ =	shalt  }
0x55: {  	_ =	shalt  }
0x56: {  	_ =	shalt  }
0x57: {  	_ =	shalt  }
0x58: {  	_ =	shalt  }
0x59: {  	_ =	shalt  }
0x5a: {  	_ =	shalt  }
0x5b: {  	_ =	shalt  }
0x5c: {  	_ =	shalt  }
0x5d: {  	_ =	shalt  }
0x5e: {  	_ =	shalt  }
0x5f: {  	_ =	shalt  }
0x60: {  	_ =	shalt  }
0x61: {  	_ =	shalt  }
0x62: {  	_ =	shalt  }
0x63: {  	_ =	shalt  }
0x64: {  	_ =	shalt  }
0x65: {  	_ =	shalt  }
0x66: {  	_ =	shalt  }
0x67: {  	_ =	shalt  }
0x68: {  	_ =	shalt  }
0x69: {  	_ =	shalt  }
0x6a: {  	_ =	shalt  }
0x6b: {  	_ =	shalt  }
0x6c: {  	_ =	shalt  }
0x6d: {  	_ =	shalt  }
0x6e: {  	_ =	shalt  }
0x6f: {  	_ =	shalt  }
0x70: {  	_ =	shalt  }
0x71: {  	_ =	shalt  }
0x72: {  	_ =	shalt  }
0x73: {  	_ =	shalt  }
0x74: {  	_ =	shalt  }
0x75: {  	_ =	shalt  }
0x76: {  	_ =	shalt  }
0x77: {  	_ =	shalt  }
0x78: {  	_ =	shalt  }
0x79: {  	_ =	shalt  }
0x7a: {  	_ =	shalt  }
0x7b: {  	_ =	shalt  }
0x7c: {  	_ =	shalt  }
0x7d: {  	_ =	shalt  }
0x7e: {  	_ =	shalt  }
0x7f: {  	_ =	shalt  }
0x80: {  	_ =	shalt  }
0x81: {  	_ =	shalt  }
0x82: {  	_ =	shalt  }
0x83: {  	_ =	shalt  }
0x84: {  	_ =	shalt  }
0x85: {  	_ =	shalt  }
0x86: {  	_ =	shalt  }
0x87: {  	_ =	shalt  }
.Lfunc_end0:
.L_simem_size_0:
called_computation.1_lowered:
.L_overlay_start_0:
0x88: {  	s2 =	sld [smem:$0x3FD9]  }
0x89: {  	s3 =	sld [smem:$0x3FFE];
	_ =	sdelay $0x1  }
0x8a: {  	s1 =	srdreg.scid  }
0x8b: {  	s0 =	sand.u32 $0x1, s1  }
0x8c: {  	s17 =	sshll.u32 s0, $0xA;
	s2 =	sadd.s32 s3, s2  }
0x8d: {  	s2 =	sadd.s32 s2, s17  }
0x8e: {  	[smem:$0x3FC6] =	sst s2  }
0x8f: {  	_ = 	snop  }
0x90: {  	s2 =	sld [smem:$0x3FD0];
	(tm) =	ssettm $0x1  }
0x91: {  	s18 =	sld [smem:$0x3FFB];
	_ =	sdelay $0x3  }
0x92: {  	_ =	strace s18  }
0x93: {  	s3 =	sld [smem:$0x3FFC];
	_ =	sdelay $0x3  }
0x94: {  	_ =	strace s3  }
0x95: {  	s3 =	sld [smem:$0x3FFD];
	_ =	sdelay $0x3  }
0x96: {  	_ =	strace s3  }
0x97: {  	_ =	strace $0x8FFFFFFF  }
0x98: {  	s19 =	sld [smem:$0x3FDB];
	_ =	sdelay $0x1  }
0x99: {  	s4 =	simm.s32 $_scs_section_size  }
0x9a: {  	s5 =	simm.s32 $_size__tile_overlayer_lowered;
	s6 =	simm.s32 $_tile_overlayer_lowered  }
0x9b: {  	s22 =	simm.s32 $0x1BFF;
	s21 =	sshll.u32 s6, $0x1;
	s3 =	sadd.s32 s4, s19  }
0x9c: {  	s7 =	simm.s32 $0x0;
	s20 =	sshll.u32 s5, $0x1;
	s5 =	sadd.s32 s21, s3  }
0x9d: {  	[timem:s7], [sflag:s22] =	dma.local [hbm:s5], s20  }
0x9e: {  	_ =	swait.ge [sflag:s22], s20  }
0x9f: {  	s4 =	ssub.s32 $0x0, s20;
	[sflag:s22] =	ssyncset.done $0x0  }
0xa0: {  	[sflag:s22] =	ssyncadd.s32 s4;
	_ =	sdelay $0x1  }
0xa1: {  	s23 =	simm.s32 $0x1B8B  }
0xa2: {  	_ =	swait.ge [sflag:s23], $0x1  }
0xa3: {  	[sflag:s23] =	ssyncset.done $0x0  }
0xa4: {  	s25 =	simm.s32 $0x1B8E;
	s24 =	sld [smem:$0x3FFE];
	[sflag:s23] =	ssyncadd.s32 $0xFFFFFFFF  }
0xa5: {  	s26 =	simm.s32 $execute0_lowered;
	[smem:$0x3FD2] =	sst s25  }
0xa6: {  	s5 =	sshll.u32 s26, $0x1;
	_ =	strace $0x80000046;
	[dreg:$0x1] =	wrdreg $0xFFFFFFFF  }
0xa7: {  	s28 =	simm.s32 $_size_execute0_lowered;
	s3 =	sadd.s32 s3, s5;
	[dreg:$0x0] =	wrdreg $0x0  }
0xa8: {  	s5 =	sshll.u32 s28, $0x1;
	[dreg:$0x2] =	wrdreg s3  }
0xa9: {  	[dreg:$0x3] =	wrdreg s5  }
0xaa: {  	[dreg:$0x4] =	wrdreg $0xC0  }
0xab: {  	_ =	task [dreg:s7], $0x5FFFF  }
0xac: {  	[dreg:$0x1] =	wrdreg $0xFFFFFFFF  }
0xad: {  	[dreg:$0x0] =	wrdreg $0x60  }
0xae: {  	[dreg:$0x2] =	wrdreg s2  }
0xaf: {  	[dreg:$0x3] =	wrdreg s24  }
0xb0: {  	[dreg:$0x4] =	wrdreg $0x9  }
0xb1: {  	_ =	task.clear_ibuf [dreg:s7], $0x5FFFF;
	_ =	strace $0x90000046  }
0xb2: {  	s29 =	simm.s32 $0x9;
	_ =	strace $0x80000048  }
0xb3: {  	_ =	swait.ge [sflag:s29], $0x1  }
0xb4: {  	[sflag:s29] =	ssyncadd.s32 $0xFFFFFFFF  }
0xb5: {  	_ =	strace $0x90000048  }
0xb6: {  	_ =	sfence  }
0xb7: {  	s30 =	sld [smem:$0x0];
	_ =	sdelay $0x2  }
0xb8: {  	s31 =	sshll.u32 s1, $0xD;
	s1 =	sshrl.u32 s1, $0x2  }
0xb9: {  	s3 =	sand.u32 $0x4000, s31;
	s1 =	sadd.s32 s1, s30  }
0xba: {  	s0 =	sor.u32 s3, s0;
	s1 =	sshll.u32 s1, $0x11  }
0xbb: {  	s0 =	sor.u32 s1, s0  }
0xbc: {  	s0 =	sadd.s32 $0x8F2B, s0  }
0xbd: {  	[sflag:s0] =	ssyncadd.remote.s32 $0x1  }
0xbe: {  	_ =	sfence.sel $0xFFFF  }
0xbf: {  	[dreg:$0x0] =	wrdreg $0xFFFFFFFF;
	(pc) =	sbr.abs _section_cstart, $3  }
0xc0: {  	[dreg:$0x1] =	wrdreg $0xFFFFFFFF  }
0xc1: {  	_ =	task.clear_ibuf [dreg:s7], $0x2FFFF;
	_ =	strace $0x9FFFFFFF  }
0xc2: {  	(tm) =	ssettm $0x7FFFFFFF  }
0xc3: {  	_ =	shalt  }
tec
execute0_lowered:
.L_overlay_start_1:
0x0: {  	(tag) =	ssettag $0x1  }
0x1: {  	s4 =	rddreg [dreg:$0x0]  }
0x2: {  	s5 =	rddreg [dreg:$0x1]  }
0x3: {  	s1 =	stileid.u32;
	s2 =	srdreg.scid  }
0x4: {  	s0 =	rddreg [dreg:$0x2];
	s10 =	simm.s32 $0x48;
	s11 =	simm.s32 $0xA400  }
0x5: {  	s12 =	simm.s32 $0xC800;
	s13 =	simm.s32 $0x10800;
	s14 =	simm.s32 $0x4  }
0x6: {  	s15 =	simm.s32 $0x12C00;
	s16 =	simm.s32 $0x2;
	s17 =	simm.s32 $0x5  }
0x7: {  	s18 =	simm.s32 $0x6;
	s19 =	simm.s32 $0x7;
	s20 =	simm.s32 $0x3  }
0x8: {  	s21 =	simm.s32 $0x16C00;
	s22 =	simm.s32 $0x0;
	s3 =	sand.u32 $0x1, s2  }
0x9: {  	s6 =	sshll.u32 s1, $0x1;
	s2 =	simm.s32 $0x0;
	s7 =	smul.u32 $0xC8000, s1  }
0xa: {  	s6 =	sor.u32 s3, s6;
	[smem:$0x7FF] =	sst s2;
	s9 =	smul.u32 $0x64000, s3  }
.Ltmp0:
0xb: {  	s8 =	ssub.s32 $0x2, s3;
	s3 =	sadd.s32 $0xF42E00, s5;
	(pc) =	sbr.rel .LBB2_1-.Ltmp0, $4  }
0xc: {  	s6 =	smul.u32 $0xC80, s6;
	s5 =	sadd.s32 s7, s5;
	s30 =	sshrl.u32 s8, $0x1  }
0xd: {  	_ =	strace $0x80000047;
	s7 =	ssub.s32 s8, s30;
	s31 =	sadd.s32 s9, s5  }
0xe: {  	s8 =	simm.s32 $0x80;
	s9 =	simm.s32 $0x6400;
	s4 =	sadd.s32 s4, s6  }
0xf: {  	s5 =	smax.u32 s7, $0x1;
	s6 =	sadd.s32 $0xA00, s31;
	s7 =	simm.s32 $0x1  }
.LBB2_14:
0x10: {  	_ =	swait.ge [sflag:s17], $0x6400  }
0x11: {  	[sflag:s17] =	ssyncset.done $0x0  }
0x12: {  	s22 =	sadd.s32 $0x1, s22;
	[sflag:s17] =	ssyncadd.s32 $0xFFFF9C00  }
0x13: {  	p0 =	sne.s32 s22, s5;
	_ =	swait.ge [sflag:s18], $0x6400  }
.Ltmp1:
0x14: {  	[sflag:s18] =	ssyncset.done $0x0;
	(pc) =	sbr.rel @!p0 .LBB2_15-.Ltmp1, $4  }
0x15: {  	[sflag:s18] =	ssyncadd.s32 $0xFFFF9C00  }
0x16: {  	_ =	swait.ge [sflag:s19], $0x6400  }
0x17: {  	[sflag:s19] =	ssyncset.done $0x0  }
0x18: {  	[sflag:s19] =	ssyncadd.s32 $0xFFFF9C00  }
.LBB2_1:
0x19: {  	[tilespmem:s2], [sflag:$0x1] =	stream.linear.gather [hbm4b:s4+s2], $0x6400, $0x38;
	[tilespmem:$0x19000] =	vst v63  }
0x1a: {  	_ =	swait.ge [sflag:s7], $0x6400  }
.Ltmp2:
0x1b: {  	[sflag:s7] =	ssyncset.done $0x0;
	(pc) =	sbr.rel .LBB2_2-.Ltmp2, $4  }
0x1c: {  	[sflag:s7] =	ssyncadd.s32 $0xFFFF9C00  }
0x1d: {  	[tilespmem:s9], [sflag:$0x2] =	stream.indirect.gather [hbm4b:s3+s8], $0x80, s2, s8, $0xb8;
	[tilespmem:$0x19000] =	vst v63  }
0x1e: {  	s23 =	simm.s32 $0xC8;
	s24 =	smov.u32 s6;
	s25 =	simm.s32 $0x0  }
0x1f: {  	[tilespmem:s11], [sflag:$0x2] =	stream.indirect.gather [hbm4b:s3+s10], $0x80, s8, s10, $0xb8;
	[tilespmem:$0x19000] =	vst v63  }
.LBB2_11:
0x20: {  	_ =	swait.ge [sflag:s20], $0x4000  }
0x21: {  	[sflag:s20] =	ssyncset.done $0x0  }
0x22: {  	[sflag:s20] =	ssyncadd.s32 $0xFFFFC000  }
0x23: {  	_ =	swait.ge [sflag:s20], $0x2400  }
0x24: {  	[sflag:s20] =	ssyncset.done $0x0  }
0x25: {  	[sflag:s20] =	ssyncadd.s32 $0xFFFFDC00  }
0x26: {  	[hbm4b:s24+s2] =	stream.linear.scatter [tilespmem:s12], [sflag:$0x6], $0x6400, $0x38;
	[tilespmem:$0x19000] =	vst v63  }
.LBB2_13:
0x27: {  	p0 =	sne.s32 s25, $0x80  }
.Ltmp3:
0x28: {  	_ = 	snop;
	(pc) =	sbr.rel @!p0 .LBB2_14-.Ltmp3, $2  }
0x29: {  	_ =	sdelay $0x2  }
0x2a: {  	s23 =	sadd.s32 $0xC8, s23;
	s24 =	sadd.s32 $0xC80, s24  }
.LBB2_2:
0x2b: {  	s26 =	smov.u32 s25;
	s25 =	sadd.s32 $0x1, s25  }
0x2c: {  	s28 =	smul.u32 $0xAB, s25;
	_ =	sdelay $0x1  }
0x2d: {  	s28 =	sshrl.u32 s28, $0x9  }
0x2e: {  	s28 =	sand.u32 $0x7F, s28  }
0x2f: {  	s28 =	smul.u32 $0x3, s28;
	_ =	sdelay $0x1  }
0x30: {  	s28 =	ssub.s32 s25, s28  }
0x31: {  	s28 =	sand.u32 $0xFF, s28  }
0x32: {  	p0 =	seq.s32 s28, $0x1  }
.Ltmp4:
0x33: {  	_ = 	snop;
	(pc) =	sbr.rel @p0 .LBB2_5-.Ltmp4, $1  }
0x34: {  	_ =	sdelay $0x3  }
0x35: {  	p0 =	sne.s32 s28, $0x0  }
.Ltmp5:
0x36: {  	_ = 	snop;
	(pc) =	sbr.rel @p0 .LBB2_6-.Ltmp5, $1  }
0x37: {  	_ =	sdelay $0x3  }
0x38: {  	p0 =	slt.u32 s26, $0x2  }
0x39: {  	s28 =	simm.s32 @!p0 $0x5  }
0x3a: {  	_ =	swait.ge @!p0 [sflag:s28], $0x6400  }
.Ltmp6:
0x3b: {  	[sflag:s28] =	ssyncset.done @!p0 $0x0;
	(pc) =	sbr.rel .LBB2_8-.Ltmp6, $4  }
0x3c: {  	[sflag:s28] =	ssyncadd.s32 @!p0 $0xFFFF9C00  }
0x3d: {  	[tilespmem:s9], [sflag:$0x2] =	stream.indirect.gather [hbm4b:s3+s8], $0x80, s23, s8, $0xb8;
	[tilespmem:$0x19000] =	vst v63  }
0x3e: {  	s31 =	sadd.s32 $0x80, s23  }
0x3f: {  	[tilespmem:s11], [sflag:$0x2] =	stream.indirect.gather [hbm4b:s3+s10], $0x80, s31, s10, $0xb8;
	[tilespmem:$0x19000] =	vst v63  }
.LBB2_5:
0x40: {  	p0 =	slt.u32 s26, $0x2  }
0x41: {  	s28 =	simm.s32 @!p0 $0x6  }
0x42: {  	_ =	swait.ge @!p0 [sflag:s28], $0x6400  }
.Ltmp7:
0x43: {  	[sflag:s28] =	ssyncset.done @!p0 $0x0;
	(pc) =	sbr.rel .LBB2_8-.Ltmp7, $4  }
0x44: {  	[sflag:s28] =	ssyncadd.s32 @!p0 $0xFFFF9C00  }
0x45: {  	[tilespmem:s12], [sflag:$0x3] =	stream.indirect.gather [hbm4b:s3+s8], $0x80, s23, s8, $0xb8;
	[tilespmem:$0x19000] =	vst v63  }
0x46: {  	s31 =	sadd.s32 $0x80, s23  }
0x47: {  	[tilespmem:s13], [sflag:$0x3] =	stream.indirect.gather [hbm4b:s3+s10], $0x80, s31, s10, $0xb8;
	[tilespmem:$0x19000] =	vst v63  }
.LBB2_6:
0x48: {  	p0 =	seq.s32 s26, $0x7F  }
.Ltmp8:
0x49: {  	_ = 	snop;
	(pc) =	sbr.rel @p0 .LBB2_11-.Ltmp8, $1  }
0x4a: {  	_ =	sdelay $0x3  }
0x4b: {  	p0 =	slt.u32 s26, $0x2  }
0x4c: {  	s28 =	simm.s32 @!p0 $0x7  }
0x4d: {  	_ =	swait.ge @!p0 [sflag:s28], $0x6400  }
0x4e: {  	[sflag:s28] =	ssyncset.done @!p0 $0x0  }
0x4f: {  	[sflag:s28] =	ssyncadd.s32 @!p0 $0xFFFF9C00  }
0x50: {  	[tilespmem:s15], [sflag:$0x4] =	stream.indirect.gather [hbm4b:s3+s8], $0x80, s23, s8, $0xb8;
	[tilespmem:$0x19000] =	vst v63  }
0x51: {  	s31 =	sadd.s32 $0x80, s23  }
0x52: {  	[tilespmem:s21], [sflag:$0x4] =	stream.indirect.gather [hbm4b:s3+s10], $0x80, s31, s10, $0xb8;
	[tilespmem:$0x19000] =	vst v63  }
.LBB2_8:
0x53: {  	s28 =	smul.u32 $0xAB, s26;
	_ =	sdelay $0x1  }
0x54: {  	s28 =	sshrl.u32 s28, $0x9  }
0x55: {  	s28 =	sand.u32 $0x7F, s28  }
0x56: {  	s28 =	smul.u32 $0x3, s28;
	_ =	sdelay $0x1  }
0x57: {  	s31 =	ssub.s32 s26, s28  }
0x58: {  	s26 =	sand.u32 $0xFF, s31  }
0x59: {  	p0 =	seq.s32 s26, $0x2  }
.Ltmp9:
0x5a: {  	_ = 	snop;
	(pc) =	sbr.rel @p0 .LBB2_12-.Ltmp9, $1  }
0x5b: {  	_ =	sdelay $0x3  }
0x5c: {  	p0 =	seq.s32 s26, $0x1  }
.Ltmp10:
0x5d: {  	_ = 	snop;
	(pc) =	sbr.rel @p0 .LBB2_11-.Ltmp10, $1  }
0x5e: {  	_ =	sdelay $0x3  }
0x5f: {  	_ =	swait.ge [sflag:s16], $0x4000  }
0x60: {  	[sflag:s16] =	ssyncset.done $0x0  }
.Ltmp11:
0x61: {  	[sflag:s16] =	ssyncadd.s32 $0xFFFFC000;
	(pc) =	sbr.rel .LBB2_13-.Ltmp11, $4  }
0x62: {  	_ =	swait.ge [sflag:s16], $0x2400  }
0x63: {  	[sflag:s16] =	ssyncset.done $0x0  }
0x64: {  	[sflag:s16] =	ssyncadd.s32 $0xFFFFDC00  }
0x65: {  	[hbm4b:s24+s2] =	stream.linear.scatter [tilespmem:s9], [sflag:$0x5], $0x6400, $0x38;
	[tilespmem:$0x19000] =	vst v63  }
.LBB2_12:
0x66: {  	_ =	swait.ge [sflag:s14], $0x4000  }
0x67: {  	[sflag:s14] =	ssyncset.done $0x0  }
.Ltmp12:
0x68: {  	[sflag:s14] =	ssyncadd.s32 $0xFFFFC000;
	(pc) =	sbr.rel .LBB2_13-.Ltmp12, $4  }
0x69: {  	_ =	swait.ge [sflag:s14], $0x2400  }
0x6a: {  	[sflag:s14] =	ssyncset.done $0x0  }
0x6b: {  	[sflag:s14] =	ssyncadd.s32 $0xFFFFDC00  }
0x6c: {  	[hbm4b:s24+s2] =	stream.linear.scatter [tilespmem:s15], [sflag:$0x7], $0x6400, $0x38;
	[tilespmem:$0x19000] =	vst v63  }
.LBB2_15:
0x6d: {  	_ =	sfence.sel $0x180000  }
0x6e: {  	[bflag:$0x0] =	sbarrier.arrive $0xFFFF  }
0x6f: {  	p0 =	sne.s32 s1, $0x0;
	_ =	strace $0x90000047  }
0x70: {  	s0 =	sadd.s32 @!p0 $0x100000, s0;
	[bflag:$0x2] =	sbarrier.arrive $0xFFFF  }
0x71: {  	[sflag:s0] =	ssyncadd.tile.s32 @!p0 $0x1;
	_ =	shalt  }
.Lfunc_end2:
_tile_overlayer_lowered:
.L_overlay_start_2:
0x72: {  	(tag) =	ssettag $0x2  }
0x73: {  	s0 =	rddreg [dreg:$0x0];
	s2 =	stileid.u32  }
0x74: {  	s1 =	rddreg [dreg:$0x1];
	p0 =	sne.s32 s2, $0x0  }
0x75: {  	s3 =	rddreg [dreg:$0x2];
	[bflag:$0x3] =	sbarrier.arrive $0xFFFF;
	s2 =	simm.s32 @!p0 $0x1C08  }
0x76: {  	[timem:s3], [sflag:s2] =	dma.local @!p0 [hbm:s0], s1  }
0x77: {  	s0 =	simm.s32 @!p0 $0x8  }
0x78: {  	_ =	swait.ge @!p0 [sflag:s0], s1  }
0x79: {  	s1 =	ssub.s32 @!p0 $0x0, s1;
	[sflag:s0] =	ssyncset.done @!p0 $0x0  }
0x7a: {  	[sflag:s0] =	ssyncadd.s32 @!p0 s1  }
0x7b: {  	[bflag:$0x3] =	sbarrier.arrive $0xFFFF  }
0x7c: {  	_ =	shalt  }

// kernel: sparse-core-data-format-call.cloned.1.call-start
scs
called_computation_lowered:
.L_overlay_start_0:
0x0: {  	s2 =	sld [smem:$0x3FD9]  }
0x1: {  	s3 =	sld [smem:$0x3FFE];
	_ =	sdelay $0x1  }
0x2: {  	s1 =	srdreg.scid  }
0x3: {  	s0 =	sand.u32 $0x1, s1  }
0x4: {  	s18 =	sshll.u32 s0, $0xA;
	s2 =	sadd.s32 s3, s2  }
0x5: {  	s2 =	sadd.s32 s2, s18  }
0x6: {  	[smem:$0x3FC6] =	sst s2  }
0x7: {  	_ = 	snop  }
0x8: {  	s2 =	sld [smem:$0x3FD0];
	(tm) =	ssettm $0x1  }
0x9: {  	s19 =	sld [smem:$0x3FFB];
	_ =	sdelay $0x3  }
0xa: {  	_ =	strace s19  }
0xb: {  	s3 =	sld [smem:$0x3FFC];
	_ =	sdelay $0x3  }
0xc: {  	_ =	strace s3  }
0xd: {  	s3 =	sld [smem:$0x3FFD];
	_ =	sdelay $0x3  }
0xe: {  	_ =	strace s3  }
0xf: {  	_ =	strace $0x8FFFFFFF  }
0x10: {  	s20 =	sld [smem:$0x3FDB];
	_ =	sdelay $0x1  }
0x11: {  	s4 =	simm.s32 $_scs_section_size  }
0x12: {  	s5 =	simm.s32 $_size__tile_overlayer_lowered;
	s6 =	simm.s32 $_tile_overlayer_lowered  }
0x13: {  	s23 =	simm.s32 $0x1BFF;
	s22 =	sshll.u32 s6, $0x1;
	s3 =	sadd.s32 s4, s20  }
0x14: {  	s7 =	simm.s32 $0x0;
	s21 =	sshll.u32 s5, $0x1;
	s5 =	sadd.s32 s22, s3  }
0x15: {  	[timem:s7], [sflag:s23] =	dma.local [hbm:s5], s21  }
0x16: {  	_ =	swait.ge [sflag:s23], s21  }
0x17: {  	s4 =	ssub.s32 $0x0, s21;
	[sflag:s23] =	ssyncset.done $0x0  }
0x18: {  	[sflag:s23] =	ssyncadd.s32 s4;
	_ =	sdelay $0x1  }
0x19: {  	s24 =	simm.s32 $0x1B8B  }
0x1a: {  	_ =	swait.ge [sflag:s24], $0x1  }
0x1b: {  	[sflag:s24] =	ssyncset.done $0x0  }
0x1c: {  	s26 =	simm.s32 $0x1B8E;
	s25 =	sld [smem:$0x3FFE];
	[sflag:s24] =	ssyncadd.s32 $0xFFFFFFFF  }
0x1d: {  	s27 =	simm.s32 $execute0_lowered;
	[smem:$0x3FD2] =	sst s26  }
0x1e: {  	s5 =	sshll.u32 s27, $0x1;
	_ =	strace $0x80000049;
	[dreg:$0x1] =	wrdreg $0xFFFFFFFF  }
0x1f: {  	s28 =	simm.s32 $_size_execute0_lowered;
	s3 =	sadd.s32 s3, s5;
	[dreg:$0x0] =	wrdreg $0x0  }
0x20: {  	s5 =	sshll.u32 s28, $0x1;
	[dreg:$0x2] =	wrdreg s3  }
0x21: {  	[dreg:$0x3] =	wrdreg s5  }
0x22: {  	[dreg:$0x4] =	wrdreg $0xC0  }
0x23: {  	_ =	task [dreg:s7], $0x5FFFF  }
0x24: {  	[dreg:$0x1] =	wrdreg $0xFFFFFFFF  }
0x25: {  	[dreg:$0x0] =	wrdreg $0x60  }
0x26: {  	[dreg:$0x2] =	wrdreg s25  }
0x27: {  	[dreg:$0x3] =	wrdreg s2  }
0x28: {  	[dreg:$0x4] =	wrdreg $0x9  }
0x29: {  	_ =	task.clear_ibuf [dreg:s7], $0x5FFFF;
	_ =	strace $0x90000049  }
0x2a: {  	s29 =	simm.s32 $0x9;
	_ =	strace $0x8000004B  }
0x2b: {  	_ =	swait.ge [sflag:s29], $0x1  }
0x2c: {  	[sflag:s29] =	ssyncadd.s32 $0xFFFFFFFF  }
0x2d: {  	_ =	strace $0x9000004B  }
0x2e: {  	_ =	sfence  }
0x2f: {  	s30 =	sld [smem:$0x0];
	_ =	sdelay $0x2  }
0x30: {  	s31 =	sshll.u32 s1, $0xD;
	s1 =	sshrl.u32 s1, $0x2  }
0x31: {  	s3 =	sand.u32 $0x4000, s31;
	s1 =	sadd.s32 s1, s30  }
0x32: {  	s0 =	sor.u32 s3, s0;
	s1 =	sshll.u32 s1, $0x11  }
0x33: {  	s0 =	sor.u32 s1, s0  }
0x34: {  	s0 =	sadd.s32 $0x8F2B, s0  }
0x35: {  	[sflag:s0] =	ssyncadd.remote.s32 $0x1  }
0x36: {  	_ =	sfence.sel $0xFFFF  }
0x37: {  	[dreg:$0x0] =	wrdreg $0xFFFFFFFF;
	(pc) =	sbr.abs _section_cstart, $3  }
0x38: {  	[dreg:$0x1] =	wrdreg $0xFFFFFFFF  }
0x39: {  	_ =	task.clear_ibuf [dreg:s7], $0x2FFFF;
	_ =	strace $0x9FFFFFFF  }
0x3a: {  	(tm) =	ssettm $0x7FFFFFFF  }
0x3b: {  	_ =	shalt  }
tec
execute0_lowered:
.L_overlay_start_1:
0x0: {  	(tag) =	ssettag $0x1  }
0x1: {  	s0 =	srdreg.scid  }
0x2: {  	s1 =	sshll.u32 s0, $0x4  }
0x3: {  	s0 =	stileid.u32;
	s1 =	sand.u32 $0x10, s1  }
0x4: {  	s1 =	sor.u32 s0, s1  }
0x5: {  	s6 =	rddreg [dreg:$0x0];
	s4 =	simm.s32 $0x1;
	s2 =	sshll.u32 s1, $0x7  }
0x6: {  	s7 =	simm.s32 $0x2;
	s12 =	simm.s32 $0x0;
	s1 =	ssub.s32 $0x1000, s2  }
0x7: {  	s8 =	simm.s32 $0x8000;
	s13 =	simm.s32 $0x0;
	s3 =	sand.u32 $0xF80, s1  }
0x8: {  	s9 =	simm.s32 $0x0;
	s5 =	sshrl.u32 s1, $0xC;
	p0 =	sne.s32 s3, $0x0  }
.Ltmp0:
0x9: {  	s1 =	rddreg [dreg:$0x2];
	s4 =	simm.s32 @!p0 $0x0;
	(pc) =	sbr.rel .LBB1_1-.Ltmp0, $4  }
0xa: {  	s11 =	simm.s32 $0x0;
	s3 =	rddreg [dreg:$0x1];
	s5 =	sadd.s32 s4, s5  }
0xb: {  	_ =	strace $0x8000004A;
	s4 =	simm.s32 $0x1;
	s5 =	smul.u32 $0xC8, s5  }
0xc: {  	s6 =	sadd.s32 $0xA00, s6;
	s10 =	smov.u32 s2;
	[sflag:s4] =	ssyncpa.u1 $0x0  }
0xd: {  	p0 =	por $0x0, $0x0;
	[sflag:s7] =	ssyncpa.u1 $0x0;
	s7 =	sor.u32 $0x1, s5  }
.LBB1_4:
0xe: {  	s16 =	sshll.u32 s13, $0x3;
	s17 =	sand.u32 $0x78, s13  }
0xf: {  	s30 =	sand.u32 $0x7E00, s13;
	s12 =	sshll.u32 s12, $0xF;
	s16 =	sand.u32 $0xC00, s16  }
0x10: {  	[tilespmem:s15+$0x810 ss:$0x81] =	vst.msk $0xffff, v2;
	s31 =	sand.u32 $0x7, s13;
	s16 =	sor.u32 s17, s16;
	s17 =	sadd.s32 s3, s30  }
0x11: {  	[tilespmem:s15+$0x1020 ss:$0x81] =	vst.msk $0xffff, v0;
	s13 =	sshll.u32 s31, $0x12;
	s12 =	sadd.s32 s12, s17;
	s16 =	sshrl.u32 s16, $0x3  }
0x12: {  	[tilespmem:s15+$0x0 ss:$0x81] =	vst.msk $0xffff, v1;
	s13 =	sor.u32 $0x400, s13;
	s12 =	sadd.s32 s16, s12  }
0x13: {  	[hbm4b:s12+s13] =	stream.strided.scatter [tilespmem:s14], [sflag:$0x2], $0x2000, s8, s13, $0x20;
	[tilespmem:$0x8080] =	vst v63  }
.LBB1_5:
0x14: {  	s14 =	sadd.s32 $0x1, s9  }
0x15: {  	s12 =	sadd.s32 $0x1000, s10;
	s16 =	smov.u32 s10;
	p2 =	sgt.s32 s14, $0xC7  }
0x16: {  	s16 =	smov.u32 @p2 s12  }
0x17: {  	s14 =	simm.s32 @p2 $0x0;
	p2 =	sgt.s32 s16, $0xFFF  }
0x18: {  	s16 =	smov.u32 @p2 s2;
	p2 =	sne.s32 s11, s7  }
.Ltmp1:
0x19: {  	p1 =	slt.u32 s11, $0x2;
	(pc) =	sbr.rel @!p2 .LBB1_6-.Ltmp1, $4  }
0x1a: {  	s15 =	simm.s32 @!p1 $0x2  }
0x1b: {  	s13 =	smov.u32 s10;
	p0 =	por !p0, !p0;
	_ =	swait.ge @!p1 [sflag:s15], $0x2000  }
0x1c: {  	s12 =	smov.u32 s9;
	[sflag:s15] =	ssyncset.done @!p1 $0x0;
	s9 =	smov.u32 s14  }
0x1d: {  	s11 =	sadd.s32 $0x1, s11;
	[sflag:s15] =	ssyncadd.s32 @!p1 $0xFFFFE000;
	s10 =	smov.u32 s16  }
.LBB1_1:
0x1e: {  	p1 =	sge.u32 s11, s5  }
0x1f: {  	s14 =	sand.u32 @!p1 $0x1FFFFFF, s9  }
0x20: {  	s15 =	smulhi.u32 @!p1 $0x147AE15, s14;
	_ =	sdelay $0x1  }
0x21: {  	s15 =	smul.u32 @!p1 $0xC8, s15  }
0x22: {  	s16 =	sxor.u32 @!p1 $0xFFFFFFFF, s11;
	s17 =	smul.u32 @!p1 $0xC80, s10  }
0x23: {  	s31 =	sadd.s32 $0xFFFFFFFF, s11;
	s16 =	sshll.u32 @!p1 s16, $0xD;
	s14 =	ssub.s32 @!p1 s14, s15  }
0x24: {  	s15 =	sand.u32 @!p1 $0x2000, s16;
	s16 =	sadd.s32 @!p1 s6, s17;
	s14 =	sshll.u32 @!p1 s14, $0x4  }
0x25: {  	s17 =	simm.s32 @!p1 $0x6400;
	s14 =	sadd.s32 @!p1 s14, s16;
	s16 =	simm.s32 @!p1 $0x40  }
0x26: {  	[tilespmem:s15], [sflag:$0x1] =	stream.strided.gather @!p1 [hbm4b:s14+s16], $0x2000, s17, s16, $0x38;
	[tilespmem:$0x8080] =	vst v63  }
0x27: {  	p1 =	sge.u32 s31, s5  }
.Ltmp2:
0x28: {  	_ = 	snop;
	(pc) =	sbr.rel @p1 .LBB1_5-.Ltmp2, $1  }
0x29: {  	_ =	sdelay $0x3  }
0x2a: {  	s14 =	simm.s32 $0x1  }
0x2b: {  	_ =	swait.ge [sflag:s4], $0x2000;
	s14 =	simm.s32 @!p0 $0x0  }
0x2c: {  	[sflag:s4] =	ssyncset.done $0x0;
	s15 =	sshll.u32 s14, $0xD  }
0x2d: {  	[sflag:s4] =	ssyncadd.s32 $0xFFFFE000;
	s18 =	sor.u32 $0x20, s15  }
0x2e: {  	s14 =	smul.u32 $0x8100, s14;
	v3 =	vld [tilespmem:s18+$0x10]  }
0x2f: {  	s30 =	sand.u32 $0x1, s11;
	v2 =	vld [tilespmem:s18+$0xFFFFFFF0]  }
0x30: {  	s15 =	smul.u32 $0x8100, s30;
	s14 =	sshrl.u32 s14, $0x2;
	v0 =	vld [tilespmem:s18+$0x0]  }
0x31: {  	v1 =	vld [tilespmem:s18+$0xFFFFFFE0];
	s16 =	sor.u32 $0x4000, s14  }
0x32: {  	s31 =	sshrl.u32 s15, $0x2;
	s15 =	sadd.s32 $0x0, s16  }
0x33: {  	s17 =	simm.s32 $0x4;
	s18 =	sadd.s32 $0x40, s18;
	s14 =	sor.u32 $0x4000, s31;
	[tilespmem:s15+$0x1830 ss:$0x81] =	vst.msk $0xffff, v3  }
.LBB1_3:
0x34: {  	v3 =	vld [tilespmem:s18+$0x10];
	p1 =	sne.s32 s17, $0x1FC;
	[tilespmem:s15+$0x810 ss:$0x81] =	vst.msk $0xffff, v2;
	s19 =	smov.u32 s17;
	s17 =	sadd.s32 $0x4, s17  }
.Ltmp3:
0x35: {  	v2 =	vld [tilespmem:s18+$0xFFFFFFF0];
	[tilespmem:s15+$0x1020 ss:$0x81] =	vst.msk $0xffff, v0;
	(pc) =	sbr.rel @p1 .LBB1_3-.Ltmp3, $4  }
0x36: {  	v0 =	vld [tilespmem:s18+$0x0];
	[tilespmem:s15+$0x0 ss:$0x81] =	vst.msk $0xffff, v1  }
0x37: {  	s15 =	sshra.s32 s19, $0x2;
	v1 =	vld [tilespmem:s18+$0xFFFFFFE0]  }
0x38: {  	s15 =	sadd.s32 s15, s16  }
0x39: {  	s18 =	sadd.s32 $0x40, s18;
	[tilespmem:s15+$0x1830 ss:$0x81] =	vst.msk $0xffff, v3  }
.Ltmp4:
0x3a: {  	_ = 	snop;
	(pc) =	sbr.rel .LBB1_4-.Ltmp4, $1  }
0x3b: {  	_ =	sdelay $0x3  }
.LBB1_6:
0x3c: {  	_ =	sfence.sel $0x180000  }
0x3d: {  	s2 =	simm.s32 $0x1;
	[bflag:$0x0] =	sbarrier.arrive $0xFFFF  }
0x3e: {  	s31 =	simm.s32 $0x2;
	[sflag:s2] =	ssyncpa.u1 $0x1  }
0x3f: {  	[sflag:s31] =	ssyncpa.u1 $0x1  }
0x40: {  	p0 =	sne.s32 s0, $0x0;
	_ =	strace $0x9000004A  }
0x41: {  	s0 =	sadd.s32 @!p0 $0x100000, s1;
	[bflag:$0x2] =	sbarrier.arrive $0xFFFF  }
0x42: {  	[sflag:s0] =	ssyncadd.tile.s32 @!p0 $0x1;
	_ =	shalt  }
.Lfunc_end1:
_tile_overlayer_lowered:
.L_overlay_start_2:
0x43: {  	(tag) =	ssettag $0x2  }
0x44: {  	s0 =	rddreg [dreg:$0x0];
	s2 =	stileid.u32  }
0x45: {  	s1 =	rddreg [dreg:$0x1];
	p0 =	sne.s32 s2, $0x0  }
0x46: {  	s3 =	rddreg [dreg:$0x2];
	[bflag:$0x3] =	sbarrier.arrive $0xFFFF;
	s2 =	simm.s32 @!p0 $0x1C01  }
0x47: {  	[timem:s3], [sflag:s2] =	dma.local @!p0 [hbm:s0], s1  }
0x48: {  	s0 =	simm.s32 @!p0 $0x1  }
0x49: {  	_ =	swait.ge @!p0 [sflag:s0], s1  }
0x4a: {  	s1 =	ssub.s32 @!p0 $0x0, s1;
	[sflag:s0] =	ssyncset.done @!p0 $0x0  }
0x4b: {  	[sflag:s0] =	ssyncadd.s32 @!p0 s1  }
0x4c: {  	[bflag:$0x3] =	sbarrier.arrive $0xFFFF  }
0x4d: {  	_ =	shalt  }

</sc_bundles>
